<compile_context>
chip_gen: v7x
topology: tpu7x:2x2x1
jax: 0.10.2.dev20260603
libtpu: 0.0.44.dev20260713+nightly
codegen_flags: <defaults>
</compile_context>

<pallas_src>
import functools

import jax
import jax.numpy as jnp
from jax import lax
from jax.experimental import pallas as pl
from jax.experimental.pallas import tpu as pltpu
from jax.experimental.pallas import tpu_sc as plsc

NC = 2
NS = 16
NW = NC * NS
CHUNK = 128
G4 = 4
NSP = 3


@functools.partial(jax.jit, static_argnums=(2, 3))
def _sc_gather(table, idx, n_chunks, emb_dim):
    n_rows = NW * n_chunks * CHUNK
    n_groups = n_chunks // G4

    mesh = plsc.VectorSubcoreMesh(
        core_axis_name="c", subcore_axis_name="s",
        num_cores=NC, num_subcores=NS,
    )

    @functools.partial(
        pl.kernel,
        out_type=jax.ShapeDtypeStruct((n_rows, emb_dim), jnp.float32),
        mesh=mesh,
        scratch_types=(
            [
                pltpu.VMEM((2, G4, CHUNK), jnp.int32),
                pltpu.VMEM_SHARED((NS, NSP, CHUNK, emb_dim), jnp.float32),
            ]
            + [pltpu.VMEM((CHUNK, emb_dim), jnp.float32) for _ in range(G4)]
            + [pltpu.SemaphoreType.DMA for _ in range(2)]
            + [pltpu.SemaphoreType.DMA for _ in range(G4)]
            + [pltpu.SemaphoreType.DMA for _ in range(NSP)]
            + [pltpu.SemaphoreType.DMA for _ in range(NSP)]
            + [pltpu.SemaphoreType.DMA]
        ),
    )
    def k(table_hbm, idx_hbm, out_hbm, ibuf, spst, *rest):
        rows = rest[:G4]
        isem = rest[G4:G4 + 2]
        gsem = rest[G4 + 2:2 * G4 + 2]
        csem = rest[2 * G4 + 2:2 * G4 + 2 + NSP]
        wsem = rest[2 * G4 + 2 + NSP:2 * G4 + 2 + 2 * NSP]
        dsem = rest[2 * G4 + 2 + 2 * NSP]
        cid = lax.axis_index("c")
        sid = lax.axis_index("s")
        wid = sid * NC + cid
        base = wid * (n_chunks * CHUNK)

        def idesc(grp, sl):
            return pltpu.make_async_copy(
                idx_hbm.at[wid, pl.ds(grp * G4, G4)], ibuf.at[sl], isem[sl])

        def gdesc(j, grp_sl, q):
            return pltpu.make_async_copy(
                table_hbm.at[ibuf.at[grp_sl, q]], rows[q], gsem[q])

        def cdesc(q):
            return pltpu.make_async_copy(rows[q], spst.at[sid, q], csem[q])

        def wdesc(j, q):
            return pltpu.make_async_copy(
                spst.at[sid, q],
                out_hbm.at[pl.ds(base + j * CHUNK, CHUNK)],
                wsem[q],
            )

        def ddesc(j):
            return pltpu.make_async_copy(
                rows[3],
                out_hbm.at[pl.ds(base + j * CHUNK, CHUNK)],
                dsem,
            )

        idesc(0, 0).start()
        idesc(1, 1).start()
        idesc(0, 0).wait()
        for q in range(G4):
            gdesc(q, 0, q).start()

        @pl.loop(0, n_groups, step=2)
        def _(go):
            for par in range(2):
                g = go + par
                sl = par
                nsl = 1 - par
                j0 = g * G4

                @pl.when(g + 1 < n_groups)
                def _():
                    idesc(g + 1, nsl).wait()

                j = j0 + 3
                gdesc(j, sl, 3).wait()
                ddesc(j).start()

                for q in range(NSP):
                    j = j0 + q

                    @pl.when(j >= G4)
                    def _():
                        wdesc(j - G4, q).wait()

                    gdesc(j, sl, q).wait()
                    cdesc(q).start()
                    cdesc(q).wait()
                    wdesc(j, q).start()

                    @pl.when(j + G4 < n_chunks)
                    def _():
                        gdesc(j + G4, nsl, q).start()

                j = j0 + 3

                @pl.when(j + G4 < n_chunks)
                def _():
                    ddesc(j).wait()
                    gdesc(j + G4, nsl, 3).start()

                @pl.when(g + 2 < n_groups)
                def _():
                    idesc(g + 2, sl).start()

        for j in range(n_chunks - G4, n_chunks - 1):
            wdesc(j, j % G4).wait()
        ddesc(n_chunks - 1).wait()

    return k(table, idx)


def kernel(indices, embedding_weight):
    b, s = indices.shape
    v, d = embedding_weight.shape
    n = b * s
    n_chunks = n // (NW * CHUNK)
    idx = indices.astype(jnp.int32).reshape(NW, n_chunks, CHUNK)
    out = _sc_gather(embedding_weight, idx, n_chunks, d)
    return out.reshape(b, s, d)

# --- scband reference (transcript-rebuilt; emitter-appended) ---
"""Pipeline reference for scband-word-attention-29987461661218 (READ-ONLY COPY).

The authoritative reference and input builder live on the scoring server;
editing this copy changes nothing except your own understanding.
"""

import jax, jax.numpy as jnp
import numpy as np

VOCAB = 100000
EMB_DIM = 128
BATCH = 4096
SEQ = 200


def setup_inputs(seed: int = 0) -> dict:
    key = jax.random.key(seed)
    k1, k2 = jax.random.split(key)
    indices = jax.random.randint(k1, (BATCH, SEQ), 0, VOCAB)
    # Embedding table initialized as in torch.nn.Embedding (N(0,1)); the original
    # module overwrites rows with pretrained vectors where available, which is
    # numerically equivalent to an arbitrary dense float table here.
    embedding_weight = jax.random.normal(k2, (VOCAB, EMB_DIM), dtype=jnp.float32)
    return {"indices": indices, "embedding_weight": embedding_weight}


def reference(indices, embedding_weight):
    # WordAttention's embedding lookup: self.embedding(indices)
    return jnp.take(embedding_weight, indices, axis=0)

if __name__ == "__main__":
    import jax
    _d = setup_inputs()
    print(jax.jit(kernel)(*tuple(_d.values())))

</pallas_src>

<mosaic_0001>
#map = affine_map<(d0, d1) -> (0, 0)>
#map1 = affine_map<(d0, d1) -> (0, 0, 0)>
module attributes {stable_mosaic.version = 14 : i64} {
  func.func @k(%arg0: i32, %arg1: i32, %arg2: memref<100000x128xf32, #tpu.memory_space<hbm>>, %arg3: memref<32x200x128xi32, #tpu.memory_space<hbm>>, %arg4: memref<819200x128xf32, #tpu.memory_space<hbm>>, %arg5: memref<2x4x128xi32, #tpu.memory_space<vmem>>, %arg6: memref<16x3x128x128xf32, #tpu.memory_space<vmem_shared>>, %arg7: memref<128x128xf32, #tpu.memory_space<vmem>>, %arg8: memref<128x128xf32, #tpu.memory_space<vmem>>, %arg9: memref<128x128xf32, #tpu.memory_space<vmem>>, %arg10: memref<128x128xf32, #tpu.memory_space<vmem>>, %arg11: memref<!tpu.dma_semaphore, #tpu.memory_space<semaphore_mem>>, %arg12: memref<!tpu.dma_semaphore, #tpu.memory_space<semaphore_mem>>, %arg13: memref<!tpu.dma_semaphore, #tpu.memory_space<semaphore_mem>>, %arg14: memref<!tpu.dma_semaphore, #tpu.memory_space<semaphore_mem>>, %arg15: memref<!tpu.dma_semaphore, #tpu.memory_space<semaphore_mem>>, %arg16: memref<!tpu.dma_semaphore, #tpu.memory_space<semaphore_mem>>, %arg17: memref<!tpu.dma_semaphore, #tpu.memory_space<semaphore_mem>>, %arg18: memref<!tpu.dma_semaphore, #tpu.memory_space<semaphore_mem>>, %arg19: memref<!tpu.dma_semaphore, #tpu.memory_space<semaphore_mem>>, %arg20: memref<!tpu.dma_semaphore, #tpu.memory_space<semaphore_mem>>, %arg21: memref<!tpu.dma_semaphore, #tpu.memory_space<semaphore_mem>>, %arg22: memref<!tpu.dma_semaphore, #tpu.memory_space<semaphore_mem>>, %arg23: memref<!tpu.dma_semaphore, #tpu.memory_space<semaphore_mem>>) attributes {dimension_semantics = [#tpu.dimension_semantics<core_parallel>, #tpu.dimension_semantics<subcore_parallel>], iteration_bounds = array<i64: 2, 16>, scalar_prefetch = 0 : i64, scratch_operands = 19 : i64, tpu.core_type = #tpu.core_type<sc_vector_subcore>, window_params = [{transform_indices = #map}, {transform_indices = #map1}, {transform_indices = #map}]} {
    %mul3A = arith.constant 2 : i32
    %mul3A_0 = arith.muli %arg1, %mul3A : i32
    %add3A = arith.addi %mul3A_0, %arg0 : i32
    %mul3A_1 = arith.constant 25600 : i32
    %mul3A_2 = arith.muli %add3A, %mul3A_1 : i32
    %dma_start3A = arith.constant 0 : i32
    %dma_start3A_3 = arith.constant 0 : i32
    %dma_start3A_4 = arith.constant 0 : i32
    %dma_start3A_5 = tpu.memref_slice %arg5[%dma_start3A, %dma_start3A_3, %dma_start3A_4] : memref<2x4x128xi32, #tpu.memory_space<vmem>> -> memref<1x4x128xi32, #tpu.memory_space<vmem>>
    %dma_start3A_6 = tpu.memref_squeeze %dma_start3A_5 : memref<1x4x128xi32, #tpu.memory_space<vmem>> -> memref<4x128xi32, #tpu.memory_space<vmem>>
    %dma_start3A_7 = arith.constant 0 : i32
    %dma_start3A_8 = arith.constant 0 : i32
    %dma_start3A_9 = tpu.memref_slice %arg3[%add3A, %dma_start3A_7, %dma_start3A_8] : memref<32x200x128xi32, #tpu.memory_space<hbm>> -> memref<1x4x128xi32, #tpu.memory_space<hbm>>
    %dma_start3A_10 = tpu.memref_squeeze %dma_start3A_9 : memref<1x4x128xi32, #tpu.memory_space<hbm>> -> memref<4x128xi32, #tpu.memory_space<hbm>>
    %dma_start3A_11 = arith.constant 0 : i32
    %dma_start3A_12 = arith.constant 0 : i32
    %dma_start3A_13 = tpu.memref_slice %arg5[%dma_start3A, %dma_start3A_11, %dma_start3A_12] : memref<2x4x128xi32, #tpu.memory_space<vmem>> -> memref<1x4x128xi32, #tpu.memory_space<vmem>>
    %dma_start3A_14 = tpu.memref_squeeze %dma_start3A_13 : memref<1x4x128xi32, #tpu.memory_space<vmem>> -> memref<4x128xi32, #tpu.memory_space<vmem>>
    %dma_start3A_15 = arith.constant 0 : i32
    %dma_start3A_16 = arith.constant 0 : i32
    %dma_start3A_17 = tpu.memref_slice %arg3[%add3A, %dma_start3A_15, %dma_start3A_16] : memref<32x200x128xi32, #tpu.memory_space<hbm>> -> memref<1x4x128xi32, #tpu.memory_space<hbm>>
    %dma_start3A_18 = tpu.memref_squeeze %dma_start3A_17 : memref<1x4x128xi32, #tpu.memory_space<hbm>> -> memref<4x128xi32, #tpu.memory_space<hbm>>
    tpu.enqueue_dma source(%dma_start3A_18 : memref<4x128xi32, #tpu.memory_space<hbm>>) target(%dma_start3A_14 : memref<4x128xi32, #tpu.memory_space<vmem>>) target_semaphore(%arg11 : memref<!tpu.dma_semaphore, #tpu.memory_space<semaphore_mem>>)
    %dma_start3A_19 = arith.constant 1 : i32
    %dma_start3A_20 = arith.constant 0 : i32
    %dma_start3A_21 = arith.constant 0 : i32
    %dma_start3A_22 = tpu.memref_slice %arg5[%dma_start3A_19, %dma_start3A_20, %dma_start3A_21] : memref<2x4x128xi32, #tpu.memory_space<vmem>> -> memref<1x4x128xi32, #tpu.memory_space<vmem>>
    %dma_start3A_23 = tpu.memref_squeeze %dma_start3A_22 : memref<1x4x128xi32, #tpu.memory_space<vmem>> -> memref<4x128xi32, #tpu.memory_space<vmem>>
    %dma_start3A_24 = arith.constant 4 : i32
    %dma_start3A_25 = arith.constant 0 : i32
    %dma_start3A_26 = tpu.memref_slice %arg3[%add3A, %dma_start3A_24, %dma_start3A_25] : memref<32x200x128xi32, #tpu.memory_space<hbm>> -> memref<1x4x128xi32, #tpu.memory_space<hbm>>
    %dma_start3A_27 = tpu.memref_squeeze %dma_start3A_26 : memref<1x4x128xi32, #tpu.memory_space<hbm>> -> memref<4x128xi32, #tpu.memory_space<hbm>>
    %dma_start3A_28 = arith.constant 0 : i32
    %dma_start3A_29 = arith.constant 0 : i32
    %dma_start3A_30 = tpu.memref_slice %arg5[%dma_start3A_19, %dma_start3A_28, %dma_start3A_29] : memref<2x4x128xi32, #tpu.memory_space<vmem>> -> memref<1x4x128xi32, #tpu.memory_space<vmem>>
    %dma_start3A_31 = tpu.memref_squeeze %dma_start3A_30 : memref<1x4x128xi32, #tpu.memory_space<vmem>> -> memref<4x128xi32, #tpu.memory_space<vmem>>
    %dma_start3A_32 = arith.constant 4 : i32
    %dma_start3A_33 = arith.constant 0 : i32
    %dma_start3A_34 = tpu.memref_slice %arg3[%add3A, %dma_start3A_32, %dma_start3A_33] : memref<32x200x128xi32, #tpu.memory_space<hbm>> -> memref<1x4x128xi32, #tpu.memory_space<hbm>>
    %dma_start3A_35 = tpu.memref_squeeze %dma_start3A_34 : memref<1x4x128xi32, #tpu.memory_space<hbm>> -> memref<4x128xi32, #tpu.memory_space<hbm>>
    tpu.enqueue_dma source(%dma_start3A_35 : memref<4x128xi32, #tpu.memory_space<hbm>>) target(%dma_start3A_31 : memref<4x128xi32, #tpu.memory_space<vmem>>) target_semaphore(%arg12 : memref<!tpu.dma_semaphore, #tpu.memory_space<semaphore_mem>>)
    %dma_wait3A = arith.constant 0 : i32
    %dma_wait3A_36 = arith.constant 0 : i32
    %dma_wait3A_37 = arith.constant 0 : i32
    %dma_wait3A_38 = tpu.memref_slice %arg5[%dma_wait3A, %dma_wait3A_36, %dma_wait3A_37] : memref<2x4x128xi32, #tpu.memory_space<vmem>> -> memref<1x4x128xi32, #tpu.memory_space<vmem>>
    %dma_wait3A_39 = tpu.memref_squeeze %dma_wait3A_38 : memref<1x4x128xi32, #tpu.memory_space<vmem>> -> memref<4x128xi32, #tpu.memory_space<vmem>>
    %dma_wait3A_40 = arith.constant 0 : i32
    %dma_wait3A_41 = arith.constant 0 : i32
    %dma_wait3A_42 = tpu.memref_slice %arg3[%add3A, %dma_wait3A_40, %dma_wait3A_41] : memref<32x200x128xi32, #tpu.memory_space<hbm>> -> memref<1x4x128xi32, #tpu.memory_space<hbm>>
    %dma_wait3A_43 = tpu.memref_squeeze %dma_wait3A_42 : memref<1x4x128xi32, #tpu.memory_space<hbm>> -> memref<4x128xi32, #tpu.memory_space<hbm>>
    %dma_wait3A_44 = arith.constant 0 : i32
    %dma_wait3A_45 = arith.constant 0 : i32
    %dma_wait3A_46 = tpu.memref_slice %arg5[%dma_wait3A, %dma_wait3A_44, %dma_wait3A_45] : memref<2x4x128xi32, #tpu.memory_space<vmem>> -> memref<1x4x128xi32, #tpu.memory_space<vmem>>
    %dma_wait3A_47 = tpu.memref_squeeze %dma_wait3A_46 : memref<1x4x128xi32, #tpu.memory_space<vmem>> -> memref<4x128xi32, #tpu.memory_space<vmem>>
    %dma_wait3A_48 = arith.constant 0 : i32
    %dma_wait3A_49 = arith.constant 0 : i32
    %dma_wait3A_50 = tpu.memref_slice %arg3[%add3A, %dma_wait3A_48, %dma_wait3A_49] : memref<32x200x128xi32, #tpu.memory_space<hbm>> -> memref<1x4x128xi32, #tpu.memory_space<hbm>>
    %dma_wait3A_51 = tpu.memref_squeeze %dma_wait3A_50 : memref<1x4x128xi32, #tpu.memory_space<hbm>> -> memref<4x128xi32, #tpu.memory_space<hbm>>
    tpu.wait_dma2 semaphore(%arg11 : memref<!tpu.dma_semaphore, #tpu.memory_space<semaphore_mem>>) src(%dma_wait3A_51 : memref<4x128xi32, #tpu.memory_space<hbm>>) dst(%dma_wait3A_47 : memref<4x128xi32, #tpu.memory_space<vmem>>)
    %dma_start3A_52 = arith.constant 0 : i32
    %dma_start3A_53 = arith.constant 0 : i32
    %dma_start3A_54 = arith.constant 0 : i32
    %dma_start3A_55 = tpu.memref_slice %arg5[%dma_start3A_52, %dma_start3A_53, %dma_start3A_54] : memref<2x4x128xi32, #tpu.memory_space<vmem>> -> memref<1x1x128xi32, #tpu.memory_space<vmem>>
    %dma_start3A_56 = tpu.memref_squeeze %dma_start3A_55 : memref<1x1x128xi32, #tpu.memory_space<vmem>> -> memref<128xi32, #tpu.memory_space<vmem>>
    %dma_start3A_57 = arith.constant 0 : i32
    %dma_start3A_58 = arith.constant 0 : i32
    %dma_start3A_59 = tpu.memref_slice %arg2[%dma_start3A_57, %dma_start3A_58] : memref<100000x128xf32, #tpu.memory_space<hbm>> -> memref<100000x128xf32, #tpu.memory_space<hbm>>
    tpu.enqueue_indirect_dma source(%dma_start3A_59 : memref<100000x128xf32, #tpu.memory_space<hbm>>) target(%arg7 : memref<128x128xf32, #tpu.memory_space<vmem>>) offsets(%dma_start3A_56 : memref<128xi32, #tpu.memory_space<vmem>>) semaphore(%arg13 : memref<!tpu.dma_semaphore, #tpu.memory_space<semaphore_mem>>)
    %dma_start3A_60 = arith.constant 0 : i32
    %dma_start3A_61 = arith.constant 1 : i32
    %dma_start3A_62 = arith.constant 0 : i32
    %dma_start3A_63 = tpu.memref_slice %arg5[%dma_start3A_60, %dma_start3A_61, %dma_start3A_62] : memref<2x4x128xi32, #tpu.memory_space<vmem>> -> memref<1x1x128xi32, #tpu.memory_space<vmem>>
    %dma_start3A_64 = tpu.memref_squeeze %dma_start3A_63 : memref<1x1x128xi32, #tpu.memory_space<vmem>> -> memref<128xi32, #tpu.memory_space<vmem>>
    %dma_start3A_65 = arith.constant 0 : i32
    %dma_start3A_66 = arith.constant 0 : i32
    %dma_start3A_67 = tpu.memref_slice %arg2[%dma_start3A_65, %dma_start3A_66] : memref<100000x128xf32, #tpu.memory_space<hbm>> -> memref<100000x128xf32, #tpu.memory_space<hbm>>
    tpu.enqueue_indirect_dma source(%dma_start3A_67 : memref<100000x128xf32, #tpu.memory_space<hbm>>) target(%arg8 : memref<128x128xf32, #tpu.memory_space<vmem>>) offsets(%dma_start3A_64 : memref<128xi32, #tpu.memory_space<vmem>>) semaphore(%arg14 : memref<!tpu.dma_semaphore, #tpu.memory_space<semaphore_mem>>)
    %dma_start3A_68 = arith.constant 0 : i32
    %dma_start3A_69 = arith.constant 2 : i32
    %dma_start3A_70 = arith.constant 0 : i32
    %dma_start3A_71 = tpu.memref_slice %arg5[%dma_start3A_68, %dma_start3A_69, %dma_start3A_70] : memref<2x4x128xi32, #tpu.memory_space<vmem>> -> memref<1x1x128xi32, #tpu.memory_space<vmem>>
    %dma_start3A_72 = tpu.memref_squeeze %dma_start3A_71 : memref<1x1x128xi32, #tpu.memory_space<vmem>> -> memref<128xi32, #tpu.memory_space<vmem>>
    %dma_start3A_73 = arith.constant 0 : i32
    %dma_start3A_74 = arith.constant 0 : i32
    %dma_start3A_75 = tpu.memref_slice %arg2[%dma_start3A_73, %dma_start3A_74] : memref<100000x128xf32, #tpu.memory_space<hbm>> -> memref<100000x128xf32, #tpu.memory_space<hbm>>
    tpu.enqueue_indirect_dma source(%dma_start3A_75 : memref<100000x128xf32, #tpu.memory_space<hbm>>) target(%arg9 : memref<128x128xf32, #tpu.memory_space<vmem>>) offsets(%dma_start3A_72 : memref<128xi32, #tpu.memory_space<vmem>>) semaphore(%arg15 : memref<!tpu.dma_semaphore, #tpu.memory_space<semaphore_mem>>)
    %dma_start3A_76 = arith.constant 0 : i32
    %dma_start3A_77 = arith.constant 3 : i32
    %dma_start3A_78 = arith.constant 0 : i32
    %dma_start3A_79 = tpu.memref_slice %arg5[%dma_start3A_76, %dma_start3A_77, %dma_start3A_78] : memref<2x4x128xi32, #tpu.memory_space<vmem>> -> memref<1x1x128xi32, #tpu.memory_space<vmem>>
    %dma_start3A_80 = tpu.memref_squeeze %dma_start3A_79 : memref<1x1x128xi32, #tpu.memory_space<vmem>> -> memref<128xi32, #tpu.memory_space<vmem>>
    %dma_start3A_81 = arith.constant 0 : i32
    %dma_start3A_82 = arith.constant 0 : i32
    %dma_start3A_83 = tpu.memref_slice %arg2[%dma_start3A_81, %dma_start3A_82] : memref<100000x128xf32, #tpu.memory_space<hbm>> -> memref<100000x128xf32, #tpu.memory_space<hbm>>
    tpu.enqueue_indirect_dma source(%dma_start3A_83 : memref<100000x128xf32, #tpu.memory_space<hbm>>) target(%arg10 : memref<128x128xf32, #tpu.memory_space<vmem>>) offsets(%dma_start3A_80 : memref<128xi32, #tpu.memory_space<vmem>>) semaphore(%arg16 : memref<!tpu.dma_semaphore, #tpu.memory_space<semaphore_mem>>)
    %scan3A = arith.constant 0 : i32
    %scan3A_84 = arith.constant 25 : i32
    %scan3A_85 = arith.addi %scan3A, %scan3A_84 : i32
    %scan3A_86 = arith.constant 1 : i32
    scf.for %scan3A_121 = %scan3A to %scan3A_85 step %scan3A_86  : i32 {
      %mul3A_122 = arith.constant 2 : i32
      %mul3A_123 = arith.muli %scan3A_121, %mul3A_122 : i32
      %add3A_124 = arith.constant 0 : i32
      %add3A_125 = arith.addi %add3A_124, %mul3A_123 : i32
      %add3A_126 = arith.constant 0 : i32
      %add3A_127 = arith.addi %add3A_125, %add3A_126 : i32
      %mul3A_128 = arith.constant 4 : i32
      %mul3A_129 = arith.muli %add3A_127, %mul3A_128 : i32
      %add3A_130 = arith.constant 1 : i32
      %add3A_131 = arith.addi %add3A_127, %add3A_130 : i32
      %lt3A = arith.constant 50 : i32
      %lt3A_132 = arith.cmpi slt, %add3A_131, %lt3A : i32
      %convert_element_type3A = arith.extui %lt3A_132 : i1 to i32
      %cond3A = arith.constant 0 : i32
      %cond3A_133 = arith.cmpi ne, %convert_element_type3A, %cond3A : i32
      scf.if %cond3A_133 {
        %add3A_510 = arith.constant 1 : i32
        %add3A_511 = arith.addi %add3A_127, %add3A_510 : i32
        %mul3A_512 = arith.constant 4 : i32
        %mul3A_513 = arith.muli %add3A_511, %mul3A_512 : i32
        %dma_wait3A_514 = arith.constant 1 : i32
        %dma_wait3A_515 = arith.constant 0 : i32
        %dma_wait3A_516 = arith.constant 0 : i32
        %dma_wait3A_517 = tpu.memref_slice %arg5[%dma_wait3A_514, %dma_wait3A_515, %dma_wait3A_516] : memref<2x4x128xi32, #tpu.memory_space<vmem>> -> memref<1x4x128xi32, #tpu.memory_space<vmem>>
        %dma_wait3A_518 = tpu.memref_squeeze %dma_wait3A_517 : memref<1x4x128xi32, #tpu.memory_space<vmem>> -> memref<4x128xi32, #tpu.memory_space<vmem>>
        %dma_wait3A_519 = arith.constant 0 : i32
        %dma_wait3A_520 = tpu.memref_slice %arg3[%add3A, %mul3A_513, %dma_wait3A_519] : memref<32x200x128xi32, #tpu.memory_space<hbm>> -> memref<1x4x128xi32, #tpu.memory_space<hbm>>
        %dma_wait3A_521 = tpu.memref_squeeze %dma_wait3A_520 : memref<1x4x128xi32, #tpu.memory_space<hbm>> -> memref<4x128xi32, #tpu.memory_space<hbm>>
        %dma_wait3A_522 = arith.constant 0 : i32
        %dma_wait3A_523 = arith.constant 0 : i32
        %dma_wait3A_524 = tpu.memref_slice %arg5[%dma_wait3A_514, %dma_wait3A_522, %dma_wait3A_523] : memref<2x4x128xi32, #tpu.memory_space<vmem>> -> memref<1x4x128xi32, #tpu.memory_space<vmem>>
        %dma_wait3A_525 = tpu.memref_squeeze %dma_wait3A_524 : memref<1x4x128xi32, #tpu.memory_space<vmem>> -> memref<4x128xi32, #tpu.memory_space<vmem>>
        %dma_wait3A_526 = arith.constant 0 : i32
        %dma_wait3A_527 = tpu.memref_slice %arg3[%add3A, %mul3A_513, %dma_wait3A_526] : memref<32x200x128xi32, #tpu.memory_space<hbm>> -> memref<1x4x128xi32, #tpu.memory_space<hbm>>
        %dma_wait3A_528 = tpu.memref_squeeze %dma_wait3A_527 : memref<1x4x128xi32, #tpu.memory_space<hbm>> -> memref<4x128xi32, #tpu.memory_space<hbm>>
        tpu.wait_dma2 semaphore(%arg12 : memref<!tpu.dma_semaphore, #tpu.memory_space<semaphore_mem>>) src(%dma_wait3A_528 : memref<4x128xi32, #tpu.memory_space<hbm>>) dst(%dma_wait3A_525 : memref<4x128xi32, #tpu.memory_space<vmem>>)
      } else {
      }
      %add3A_134 = arith.constant 3 : i32
      %add3A_135 = arith.addi %mul3A_129, %add3A_134 : i32
      %dma_wait3A_136 = arith.constant 0 : i32
      %dma_wait3A_137 = arith.constant 3 : i32
      %dma_wait3A_138 = arith.constant 0 : i32
      %dma_wait3A_139 = tpu.memref_slice %arg5[%dma_wait3A_136, %dma_wait3A_137, %dma_wait3A_138] : memref<2x4x128xi32, #tpu.memory_space<vmem>> -> memref<1x1x128xi32, #tpu.memory_space<vmem>>
      %dma_wait3A_140 = tpu.memref_squeeze %dma_wait3A_139 : memref<1x1x128xi32, #tpu.memory_space<vmem>> -> memref<128xi32, #tpu.memory_space<vmem>>
      %dma_wait3A_141 = arith.constant 0 : i32
      %dma_wait3A_142 = arith.constant 0 : i32
      %dma_wait3A_143 = tpu.memref_slice %arg2[%dma_wait3A_141, %dma_wait3A_142] : memref<100000x128xf32, #tpu.memory_space<hbm>> -> memref<100000x128xf32, #tpu.memory_space<hbm>>
      tpu.wait_indirect_dma semaphore(%arg16 : memref<!tpu.dma_semaphore, #tpu.memory_space<semaphore_mem>>) src(%dma_wait3A_143 : memref<100000x128xf32, #tpu.memory_space<hbm>>) dst(%arg10 : memref<128x128xf32, #tpu.memory_space<vmem>>)
      %mul3A_144 = arith.constant 128 : i32
      %mul3A_145 = arith.muli %add3A_135, %mul3A_144 : i32
      %add3A_146 = arith.addi %mul3A_2, %mul3A_145 : i32
      %dma_start3A_147 = arith.constant 0 : i32
      %dma_start3A_148 = tpu.memref_slice %arg4[%add3A_146, %dma_start3A_147] : memref<819200x128xf32, #tpu.memory_space<hbm>> -> memref<128x128xf32, #tpu.memory_space<hbm>>
      %dma_start3A_149 = arith.constant 0 : i32
      %dma_start3A_150 = tpu.memref_slice %arg4[%add3A_146, %dma_start3A_149] : memref<819200x128xf32, #tpu.memory_space<hbm>> -> memref<128x128xf32, #tpu.memory_space<hbm>>
      tpu.enqueue_dma source(%arg10 : memref<128x128xf32, #tpu.memory_space<vmem>>) target(%dma_start3A_150 : memref<128x128xf32, #tpu.memory_space<hbm>>) target_semaphore(%arg23 : memref<!tpu.dma_semaphore, #tpu.memory_space<semaphore_mem>>)
      %add3A_151 = arith.constant 0 : i32
      %add3A_152 = arith.addi %mul3A_129, %add3A_151 : i32
      %ge3A = arith.constant 4 : i32
      %ge3A_153 = arith.cmpi sge, %add3A_152, %ge3A : i32
      %convert_element_type3A_154 = arith.extui %ge3A_153 : i1 to i32
      %cond3A_155 = arith.constant 0 : i32
      %cond3A_156 = arith.cmpi ne, %convert_element_type3A_154, %cond3A_155 : i32
      scf.if %cond3A_156 {
        %sub3A = arith.constant 4 : i32
        %sub3A_510 = arith.subi %add3A_152, %sub3A : i32
        %mul3A_511 = arith.constant 128 : i32
        %mul3A_512 = arith.muli %sub3A_510, %mul3A_511 : i32
        %add3A_513 = arith.addi %mul3A_2, %mul3A_512 : i32
        %dma_wait3A_514 = arith.constant 0 : i32
        %dma_wait3A_515 = arith.constant 0 : i32
        %dma_wait3A_516 = tpu.memref_slice %arg4[%add3A_513, %dma_wait3A_515] : memref<819200x128xf32, #tpu.memory_space<hbm>> -> memref<128x128xf32, #tpu.memory_space<hbm>>
        %dma_wait3A_517 = arith.constant 0 : i32
        %dma_wait3A_518 = arith.constant 0 : i32
        %dma_wait3A_519 = tpu.memref_slice %arg6[%arg1, %dma_wait3A_514, %dma_wait3A_517, %dma_wait3A_518] : memref<16x3x128x128xf32, #tpu.memory_space<vmem_shared>> -> memref<1x1x128x128xf32, #tpu.memory_space<vmem_shared>>
        %dma_wait3A_520 = tpu.memref_squeeze %dma_wait3A_519 : memref<1x1x128x128xf32, #tpu.memory_space<vmem_shared>> -> memref<128x128xf32, #tpu.memory_space<vmem_shared>>
        tpu.wait_dma2 semaphore(%arg20 : memref<!tpu.dma_semaphore, #tpu.memory_space<semaphore_mem>>) src(%dma_wait3A_520 : memref<128x128xf32, #tpu.memory_space<vmem_shared>>) dst(%dma_wait3A_516 : memref<128x128xf32, #tpu.memory_space<hbm>>)
      } else {
      }
      %dma_wait3A_157 = arith.constant 0 : i32
      %dma_wait3A_158 = arith.constant 0 : i32
      %dma_wait3A_159 = arith.constant 0 : i32
      %dma_wait3A_160 = tpu.memref_slice %arg5[%dma_wait3A_157, %dma_wait3A_158, %dma_wait3A_159] : memref<2x4x128xi32, #tpu.memory_space<vmem>> -> memref<1x1x128xi32, #tpu.memory_space<vmem>>
      %dma_wait3A_161 = tpu.memref_squeeze %dma_wait3A_160 : memref<1x1x128xi32, #tpu.memory_space<vmem>> -> memref<128xi32, #tpu.memory_space<vmem>>
      %dma_wait3A_162 = arith.constant 0 : i32
      %dma_wait3A_163 = arith.constant 0 : i32
      %dma_wait3A_164 = tpu.memref_slice %arg2[%dma_wait3A_162, %dma_wait3A_163] : memref<100000x128xf32, #tpu.memory_space<hbm>> -> memref<100000x128xf32, #tpu.memory_space<hbm>>
      tpu.wait_indirect_dma semaphore(%arg13 : memref<!tpu.dma_semaphore, #tpu.memory_space<semaphore_mem>>) src(%dma_wait3A_164 : memref<100000x128xf32, #tpu.memory_space<hbm>>) dst(%arg7 : memref<128x128xf32, #tpu.memory_space<vmem>>)
      %dma_start3A_165 = arith.constant 0 : i32
      %dma_start3A_166 = arith.constant 0 : i32
      %dma_start3A_167 = arith.constant 0 : i32
      %dma_start3A_168 = tpu.memref_slice %arg6[%arg1, %dma_start3A_165, %dma_start3A_166, %dma_start3A_167] : memref<16x3x128x128xf32, #tpu.memory_space<vmem_shared>> -> memref<1x1x128x128xf32, #tpu.memory_space<vmem_shared>>
      %dma_start3A_169 = tpu.memref_squeeze %dma_start3A_168 : memref<1x1x128x128xf32, #tpu.memory_space<vmem_shared>> -> memref<128x128xf32, #tpu.memory_space<vmem_shared>>
      %dma_start3A_170 = arith.constant 0 : i32
      %dma_start3A_171 = arith.constant 0 : i32
      %dma_start3A_172 = tpu.memref_slice %arg6[%arg1, %dma_start3A_165, %dma_start3A_170, %dma_start3A_171] : memref<16x3x128x128xf32, #tpu.memory_space<vmem_shared>> -> memref<1x1x128x128xf32, #tpu.memory_space<vmem_shared>>
      %dma_start3A_173 = tpu.memref_squeeze %dma_start3A_172 : memref<1x1x128x128xf32, #tpu.memory_space<vmem_shared>> -> memref<128x128xf32, #tpu.memory_space<vmem_shared>>
      tpu.enqueue_dma source(%arg7 : memref<128x128xf32, #tpu.memory_space<vmem>>) target(%dma_start3A_173 : memref<128x128xf32, #tpu.memory_space<vmem_shared>>) target_semaphore(%arg17 : memref<!tpu.dma_semaphore, #tpu.memory_space<semaphore_mem>>)
      %dma_wait3A_174 = arith.constant 0 : i32
      %dma_wait3A_175 = arith.constant 0 : i32
      %dma_wait3A_176 = arith.constant 0 : i32
      %dma_wait3A_177 = tpu.memref_slice %arg6[%arg1, %dma_wait3A_174, %dma_wait3A_175, %dma_wait3A_176] : memref<16x3x128x128xf32, #tpu.memory_space<vmem_shared>> -> memref<1x1x128x128xf32, #tpu.memory_space<vmem_shared>>
      %dma_wait3A_178 = tpu.memref_squeeze %dma_wait3A_177 : memref<1x1x128x128xf32, #tpu.memory_space<vmem_shared>> -> memref<128x128xf32, #tpu.memory_space<vmem_shared>>
      %dma_wait3A_179 = arith.constant 0 : i32
      %dma_wait3A_180 = arith.constant 0 : i32
      %dma_wait3A_181 = tpu.memref_slice %arg6[%arg1, %dma_wait3A_174, %dma_wait3A_179, %dma_wait3A_180] : memref<16x3x128x128xf32, #tpu.memory_space<vmem_shared>> -> memref<1x1x128x128xf32, #tpu.memory_space<vmem_shared>>
      %dma_wait3A_182 = tpu.memref_squeeze %dma_wait3A_181 : memref<1x1x128x128xf32, #tpu.memory_space<vmem_shared>> -> memref<128x128xf32, #tpu.memory_space<vmem_shared>>
      tpu.wait_dma2 semaphore(%arg17 : memref<!tpu.dma_semaphore, #tpu.memory_space<semaphore_mem>>) src(%arg7 : memref<128x128xf32, #tpu.memory_space<vmem>>) dst(%dma_wait3A_182 : memref<128x128xf32, #tpu.memory_space<vmem_shared>>)
      %mul3A_183 = arith.constant 128 : i32
      %mul3A_184 = arith.muli %add3A_152, %mul3A_183 : i32
      %add3A_185 = arith.addi %mul3A_2, %mul3A_184 : i32
      %dma_start3A_186 = arith.constant 0 : i32
      %dma_start3A_187 = arith.constant 0 : i32
      %dma_start3A_188 = tpu.memref_slice %arg4[%add3A_185, %dma_start3A_187] : memref<819200x128xf32, #tpu.memory_space<hbm>> -> memref<128x128xf32, #tpu.memory_space<hbm>>
      %dma_start3A_189 = arith.constant 0 : i32
      %dma_start3A_190 = arith.constant 0 : i32
      %dma_start3A_191 = tpu.memref_slice %arg6[%arg1, %dma_start3A_186, %dma_start3A_189, %dma_start3A_190] : memref<16x3x128x128xf32, #tpu.memory_space<vmem_shared>> -> memref<1x1x128x128xf32, #tpu.memory_space<vmem_shared>>
      %dma_start3A_192 = tpu.memref_squeeze %dma_start3A_191 : memref<1x1x128x128xf32, #tpu.memory_space<vmem_shared>> -> memref<128x128xf32, #tpu.memory_space<vmem_shared>>
      tpu.enqueue_dma source(%dma_start3A_192 : memref<128x128xf32, #tpu.memory_space<vmem_shared>>) target(%dma_start3A_188 : memref<128x128xf32, #tpu.memory_space<hbm>>) target_semaphore(%arg20 : memref<!tpu.dma_semaphore, #tpu.memory_space<semaphore_mem>>)
      %add3A_193 = arith.constant 4 : i32
      %add3A_194 = arith.addi %add3A_152, %add3A_193 : i32
      %lt3A_195 = arith.constant 200 : i32
      %lt3A_196 = arith.cmpi slt, %add3A_194, %lt3A_195 : i32
      %convert_element_type3A_197 = arith.extui %lt3A_196 : i1 to i32
      %cond3A_198 = arith.constant 0 : i32
      %cond3A_199 = arith.cmpi ne, %convert_element_type3A_197, %cond3A_198 : i32
      scf.if %cond3A_199 {
        %add3A_510 = arith.constant 4 : i32
        %add3A_511 = arith.addi %add3A_152, %add3A_510 : i32
        %dma_start3A_512 = arith.constant 1 : i32
        %dma_start3A_513 = arith.constant 0 : i32
        %dma_start3A_514 = arith.constant 0 : i32
        %dma_start3A_515 = tpu.memref_slice %arg5[%dma_start3A_512, %dma_start3A_513, %dma_start3A_514] : memref<2x4x128xi32, #tpu.memory_space<vmem>> -> memref<1x1x128xi32, #tpu.memory_space<vmem>>
        %dma_start3A_516 = tpu.memref_squeeze %dma_start3A_515 : memref<1x1x128xi32, #tpu.memory_space<vmem>> -> memref<128xi32, #tpu.memory_space<vmem>>
        %dma_start3A_517 = arith.constant 0 : i32
        %dma_start3A_518 = arith.constant 0 : i32
        %dma_start3A_519 = tpu.memref_slice %arg2[%dma_start3A_517, %dma_start3A_518] : memref<100000x128xf32, #tpu.memory_space<hbm>> -> memref<100000x128xf32, #tpu.memory_space<hbm>>
        tpu.enqueue_indirect_dma source(%dma_start3A_519 : memref<100000x128xf32, #tpu.memory_space<hbm>>) target(%arg7 : memref<128x128xf32, #tpu.memory_space<vmem>>) offsets(%dma_start3A_516 : memref<128xi32, #tpu.memory_space<vmem>>) semaphore(%arg13 : memref<!tpu.dma_semaphore, #tpu.memory_space<semaphore_mem>>)
      } else {
      }
      %add3A_200 = arith.constant 1 : i32
      %add3A_201 = arith.addi %mul3A_129, %add3A_200 : i32
      %ge3A_202 = arith.constant 4 : i32
      %ge3A_203 = arith.cmpi sge, %add3A_201, %ge3A_202 : i32
      %convert_element_type3A_204 = arith.extui %ge3A_203 : i1 to i32
      %cond3A_205 = arith.constant 0 : i32
      %cond3A_206 = arith.cmpi ne, %convert_element_type3A_204, %cond3A_205 : i32
      scf.if %cond3A_206 {
        %sub3A = arith.constant 4 : i32
        %sub3A_510 = arith.subi %add3A_201, %sub3A : i32
        %mul3A_511 = arith.constant 128 : i32
        %mul3A_512 = arith.muli %sub3A_510, %mul3A_511 : i32
        %add3A_513 = arith.addi %mul3A_2, %mul3A_512 : i32
        %dma_wait3A_514 = arith.constant 1 : i32
        %dma_wait3A_515 = arith.constant 0 : i32
        %dma_wait3A_516 = tpu.memref_slice %arg4[%add3A_513, %dma_wait3A_515] : memref<819200x128xf32, #tpu.memory_space<hbm>> -> memref<128x128xf32, #tpu.memory_space<hbm>>
        %dma_wait3A_517 = arith.constant 0 : i32
        %dma_wait3A_518 = arith.constant 0 : i32
        %dma_wait3A_519 = tpu.memref_slice %arg6[%arg1, %dma_wait3A_514, %dma_wait3A_517, %dma_wait3A_518] : memref<16x3x128x128xf32, #tpu.memory_space<vmem_shared>> -> memref<1x1x128x128xf32, #tpu.memory_space<vmem_shared>>
        %dma_wait3A_520 = tpu.memref_squeeze %dma_wait3A_519 : memref<1x1x128x128xf32, #tpu.memory_space<vmem_shared>> -> memref<128x128xf32, #tpu.memory_space<vmem_shared>>
        tpu.wait_dma2 semaphore(%arg21 : memref<!tpu.dma_semaphore, #tpu.memory_space<semaphore_mem>>) src(%dma_wait3A_520 : memref<128x128xf32, #tpu.memory_space<vmem_shared>>) dst(%dma_wait3A_516 : memref<128x128xf32, #tpu.memory_space<hbm>>)
      } else {
      }
      %dma_wait3A_207 = arith.constant 0 : i32
      %dma_wait3A_208 = arith.constant 1 : i32
      %dma_wait3A_209 = arith.constant 0 : i32
      %dma_wait3A_210 = tpu.memref_slice %arg5[%dma_wait3A_207, %dma_wait3A_208, %dma_wait3A_209] : memref<2x4x128xi32, #tpu.memory_space<vmem>> -> memref<1x1x128xi32, #tpu.memory_space<vmem>>
      %dma_wait3A_211 = tpu.memref_squeeze %dma_wait3A_210 : memref<1x1x128xi32, #tpu.memory_space<vmem>> -> memref<128xi32, #tpu.memory_space<vmem>>
      %dma_wait3A_212 = arith.constant 0 : i32
      %dma_wait3A_213 = arith.constant 0 : i32
      %dma_wait3A_214 = tpu.memref_slice %arg2[%dma_wait3A_212, %dma_wait3A_213] : memref<100000x128xf32, #tpu.memory_space<hbm>> -> memref<100000x128xf32, #tpu.memory_space<hbm>>
      tpu.wait_indirect_dma semaphore(%arg14 : memref<!tpu.dma_semaphore, #tpu.memory_space<semaphore_mem>>) src(%dma_wait3A_214 : memref<100000x128xf32, #tpu.memory_space<hbm>>) dst(%arg8 : memref<128x128xf32, #tpu.memory_space<vmem>>)
      %dma_start3A_215 = arith.constant 1 : i32
      %dma_start3A_216 = arith.constant 0 : i32
      %dma_start3A_217 = arith.constant 0 : i32
      %dma_start3A_218 = tpu.memref_slice %arg6[%arg1, %dma_start3A_215, %dma_start3A_216, %dma_start3A_217] : memref<16x3x128x128xf32, #tpu.memory_space<vmem_shared>> -> memref<1x1x128x128xf32, #tpu.memory_space<vmem_shared>>
      %dma_start3A_219 = tpu.memref_squeeze %dma_start3A_218 : memref<1x1x128x128xf32, #tpu.memory_space<vmem_shared>> -> memref<128x128xf32, #tpu.memory_space<vmem_shared>>
      %dma_start3A_220 = arith.constant 0 : i32
      %dma_start3A_221 = arith.constant 0 : i32
      %dma_start3A_222 = tpu.memref_slice %arg6[%arg1, %dma_start3A_215, %dma_start3A_220, %dma_start3A_221] : memref<16x3x128x128xf32, #tpu.memory_space<vmem_shared>> -> memref<1x1x128x128xf32, #tpu.memory_space<vmem_shared>>
      %dma_start3A_223 = tpu.memref_squeeze %dma_start3A_222 : memref<1x1x128x128xf32, #tpu.memory_space<vmem_shared>> -> memref<128x128xf32, #tpu.memory_space<vmem_shared>>
      tpu.enqueue_dma source(%arg8 : memref<128x128xf32, #tpu.memory_space<vmem>>) target(%dma_start3A_223 : memref<128x128xf32, #tpu.memory_space<vmem_shared>>) target_semaphore(%arg18 : memref<!tpu.dma_semaphore, #tpu.memory_space<semaphore_mem>>)
      %dma_wait3A_224 = arith.constant 1 : i32
      %dma_wait3A_225 = arith.constant 0 : i32
      %dma_wait3A_226 = arith.constant 0 : i32
      %dma_wait3A_227 = tpu.memref_slice %arg6[%arg1, %dma_wait3A_224, %dma_wait3A_225, %dma_wait3A_226] : memref<16x3x128x128xf32, #tpu.memory_space<vmem_shared>> -> memref<1x1x128x128xf32, #tpu.memory_space<vmem_shared>>
      %dma_wait3A_228 = tpu.memref_squeeze %dma_wait3A_227 : memref<1x1x128x128xf32, #tpu.memory_space<vmem_shared>> -> memref<128x128xf32, #tpu.memory_space<vmem_shared>>
      %dma_wait3A_229 = arith.constant 0 : i32
      %dma_wait3A_230 = arith.constant 0 : i32
      %dma_wait3A_231 = tpu.memref_slice %arg6[%arg1, %dma_wait3A_224, %dma_wait3A_229, %dma_wait3A_230] : memref<16x3x128x128xf32, #tpu.memory_space<vmem_shared>> -> memref<1x1x128x128xf32, #tpu.memory_space<vmem_shared>>
      %dma_wait3A_232 = tpu.memref_squeeze %dma_wait3A_231 : memref<1x1x128x128xf32, #tpu.memory_space<vmem_shared>> -> memref<128x128xf32, #tpu.memory_space<vmem_shared>>
      tpu.wait_dma2 semaphore(%arg18 : memref<!tpu.dma_semaphore, #tpu.memory_space<semaphore_mem>>) src(%arg8 : memref<128x128xf32, #tpu.memory_space<vmem>>) dst(%dma_wait3A_232 : memref<128x128xf32, #tpu.memory_space<vmem_shared>>)
      %mul3A_233 = arith.constant 128 : i32
      %mul3A_234 = arith.muli %add3A_201, %mul3A_233 : i32
      %add3A_235 = arith.addi %mul3A_2, %mul3A_234 : i32
      %dma_start3A_236 = arith.constant 1 : i32
      %dma_start3A_237 = arith.constant 0 : i32
      %dma_start3A_238 = tpu.memref_slice %arg4[%add3A_235, %dma_start3A_237] : memref<819200x128xf32, #tpu.memory_space<hbm>> -> memref<128x128xf32, #tpu.memory_space<hbm>>
      %dma_start3A_239 = arith.constant 0 : i32
      %dma_start3A_240 = arith.constant 0 : i32
      %dma_start3A_241 = tpu.memref_slice %arg6[%arg1, %dma_start3A_236, %dma_start3A_239, %dma_start3A_240] : memref<16x3x128x128xf32, #tpu.memory_space<vmem_shared>> -> memref<1x1x128x128xf32, #tpu.memory_space<vmem_shared>>
      %dma_start3A_242 = tpu.memref_squeeze %dma_start3A_241 : memref<1x1x128x128xf32, #tpu.memory_space<vmem_shared>> -> memref<128x128xf32, #tpu.memory_space<vmem_shared>>
      tpu.enqueue_dma source(%dma_start3A_242 : memref<128x128xf32, #tpu.memory_space<vmem_shared>>) target(%dma_start3A_238 : memref<128x128xf32, #tpu.memory_space<hbm>>) target_semaphore(%arg21 : memref<!tpu.dma_semaphore, #tpu.memory_space<semaphore_mem>>)
      %add3A_243 = arith.constant 4 : i32
      %add3A_244 = arith.addi %add3A_201, %add3A_243 : i32
      %lt3A_245 = arith.constant 200 : i32
      %lt3A_246 = arith.cmpi slt, %add3A_244, %lt3A_245 : i32
      %convert_element_type3A_247 = arith.extui %lt3A_246 : i1 to i32
      %cond3A_248 = arith.constant 0 : i32
      %cond3A_249 = arith.cmpi ne, %convert_element_type3A_247, %cond3A_248 : i32
      scf.if %cond3A_249 {
        %add3A_510 = arith.constant 4 : i32
        %add3A_511 = arith.addi %add3A_201, %add3A_510 : i32
        %dma_start3A_512 = arith.constant 1 : i32
        %dma_start3A_513 = arith.constant 1 : i32
        %dma_start3A_514 = arith.constant 0 : i32
        %dma_start3A_515 = tpu.memref_slice %arg5[%dma_start3A_512, %dma_start3A_513, %dma_start3A_514] : memref<2x4x128xi32, #tpu.memory_space<vmem>> -> memref<1x1x128xi32, #tpu.memory_space<vmem>>
        %dma_start3A_516 = tpu.memref_squeeze %dma_start3A_515 : memref<1x1x128xi32, #tpu.memory_space<vmem>> -> memref<128xi32, #tpu.memory_space<vmem>>
        %dma_start3A_517 = arith.constant 0 : i32
        %dma_start3A_518 = arith.constant 0 : i32
        %dma_start3A_519 = tpu.memref_slice %arg2[%dma_start3A_517, %dma_start3A_518] : memref<100000x128xf32, #tpu.memory_space<hbm>> -> memref<100000x128xf32, #tpu.memory_space<hbm>>
        tpu.enqueue_indirect_dma source(%dma_start3A_519 : memref<100000x128xf32, #tpu.memory_space<hbm>>) target(%arg8 : memref<128x128xf32, #tpu.memory_space<vmem>>) offsets(%dma_start3A_516 : memref<128xi32, #tpu.memory_space<vmem>>) semaphore(%arg14 : memref<!tpu.dma_semaphore, #tpu.memory_space<semaphore_mem>>)
      } else {
      }
      %add3A_250 = arith.constant 2 : i32
      %add3A_251 = arith.addi %mul3A_129, %add3A_250 : i32
      %ge3A_252 = arith.constant 4 : i32
      %ge3A_253 = arith.cmpi sge, %add3A_251, %ge3A_252 : i32
      %convert_element_type3A_254 = arith.extui %ge3A_253 : i1 to i32
      %cond3A_255 = arith.constant 0 : i32
      %cond3A_256 = arith.cmpi ne, %convert_element_type3A_254, %cond3A_255 : i32
      scf.if %cond3A_256 {
        %sub3A = arith.constant 4 : i32
        %sub3A_510 = arith.subi %add3A_251, %sub3A : i32
        %mul3A_511 = arith.constant 128 : i32
        %mul3A_512 = arith.muli %sub3A_510, %mul3A_511 : i32
        %add3A_513 = arith.addi %mul3A_2, %mul3A_512 : i32
        %dma_wait3A_514 = arith.constant 2 : i32
        %dma_wait3A_515 = arith.constant 0 : i32
        %dma_wait3A_516 = tpu.memref_slice %arg4[%add3A_513, %dma_wait3A_515] : memref<819200x128xf32, #tpu.memory_space<hbm>> -> memref<128x128xf32, #tpu.memory_space<hbm>>
        %dma_wait3A_517 = arith.constant 0 : i32
        %dma_wait3A_518 = arith.constant 0 : i32
        %dma_wait3A_519 = tpu.memref_slice %arg6[%arg1, %dma_wait3A_514, %dma_wait3A_517, %dma_wait3A_518] : memref<16x3x128x128xf32, #tpu.memory_space<vmem_shared>> -> memref<1x1x128x128xf32, #tpu.memory_space<vmem_shared>>
        %dma_wait3A_520 = tpu.memref_squeeze %dma_wait3A_519 : memref<1x1x128x128xf32, #tpu.memory_space<vmem_shared>> -> memref<128x128xf32, #tpu.memory_space<vmem_shared>>
        tpu.wait_dma2 semaphore(%arg22 : memref<!tpu.dma_semaphore, #tpu.memory_space<semaphore_mem>>) src(%dma_wait3A_520 : memref<128x128xf32, #tpu.memory_space<vmem_shared>>) dst(%dma_wait3A_516 : memref<128x128xf32, #tpu.memory_space<hbm>>)
      } else {
      }
      %dma_wait3A_257 = arith.constant 0 : i32
      %dma_wait3A_258 = arith.constant 2 : i32
      %dma_wait3A_259 = arith.constant 0 : i32
      %dma_wait3A_260 = tpu.memref_slice %arg5[%dma_wait3A_257, %dma_wait3A_258, %dma_wait3A_259] : memref<2x4x128xi32, #tpu.memory_space<vmem>> -> memref<1x1x128xi32, #tpu.memory_space<vmem>>
      %dma_wait3A_261 = tpu.memref_squeeze %dma_wait3A_260 : memref<1x1x128xi32, #tpu.memory_space<vmem>> -> memref<128xi32, #tpu.memory_space<vmem>>
      %dma_wait3A_262 = arith.constant 0 : i32
      %dma_wait3A_263 = arith.constant 0 : i32
      %dma_wait3A_264 = tpu.memref_slice %arg2[%dma_wait3A_262, %dma_wait3A_263] : memref<100000x128xf32, #tpu.memory_space<hbm>> -> memref<100000x128xf32, #tpu.memory_space<hbm>>
      tpu.wait_indirect_dma semaphore(%arg15 : memref<!tpu.dma_semaphore, #tpu.memory_space<semaphore_mem>>) src(%dma_wait3A_264 : memref<100000x128xf32, #tpu.memory_space<hbm>>) dst(%arg9 : memref<128x128xf32, #tpu.memory_space<vmem>>)
      %dma_start3A_265 = arith.constant 2 : i32
      %dma_start3A_266 = arith.constant 0 : i32
      %dma_start3A_267 = arith.constant 0 : i32
      %dma_start3A_268 = tpu.memref_slice %arg6[%arg1, %dma_start3A_265, %dma_start3A_266, %dma_start3A_267] : memref<16x3x128x128xf32, #tpu.memory_space<vmem_shared>> -> memref<1x1x128x128xf32, #tpu.memory_space<vmem_shared>>
      %dma_start3A_269 = tpu.memref_squeeze %dma_start3A_268 : memref<1x1x128x128xf32, #tpu.memory_space<vmem_shared>> -> memref<128x128xf32, #tpu.memory_space<vmem_shared>>
      %dma_start3A_270 = arith.constant 0 : i32
      %dma_start3A_271 = arith.constant 0 : i32
      %dma_start3A_272 = tpu.memref_slice %arg6[%arg1, %dma_start3A_265, %dma_start3A_270, %dma_start3A_271] : memref<16x3x128x128xf32, #tpu.memory_space<vmem_shared>> -> memref<1x1x128x128xf32, #tpu.memory_space<vmem_shared>>
      %dma_start3A_273 = tpu.memref_squeeze %dma_start3A_272 : memref<1x1x128x128xf32, #tpu.memory_space<vmem_shared>> -> memref<128x128xf32, #tpu.memory_space<vmem_shared>>
      tpu.enqueue_dma source(%arg9 : memref<128x128xf32, #tpu.memory_space<vmem>>) target(%dma_start3A_273 : memref<128x128xf32, #tpu.memory_space<vmem_shared>>) target_semaphore(%arg19 : memref<!tpu.dma_semaphore, #tpu.memory_space<semaphore_mem>>)
      %dma_wait3A_274 = arith.constant 2 : i32
      %dma_wait3A_275 = arith.constant 0 : i32
      %dma_wait3A_276 = arith.constant 0 : i32
      %dma_wait3A_277 = tpu.memref_slice %arg6[%arg1, %dma_wait3A_274, %dma_wait3A_275, %dma_wait3A_276] : memref<16x3x128x128xf32, #tpu.memory_space<vmem_shared>> -> memref<1x1x128x128xf32, #tpu.memory_space<vmem_shared>>
      %dma_wait3A_278 = tpu.memref_squeeze %dma_wait3A_277 : memref<1x1x128x128xf32, #tpu.memory_space<vmem_shared>> -> memref<128x128xf32, #tpu.memory_space<vmem_shared>>
      %dma_wait3A_279 = arith.constant 0 : i32
      %dma_wait3A_280 = arith.constant 0 : i32
      %dma_wait3A_281 = tpu.memref_slice %arg6[%arg1, %dma_wait3A_274, %dma_wait3A_279, %dma_wait3A_280] : memref<16x3x128x128xf32, #tpu.memory_space<vmem_shared>> -> memref<1x1x128x128xf32, #tpu.memory_space<vmem_shared>>
      %dma_wait3A_282 = tpu.memref_squeeze %dma_wait3A_281 : memref<1x1x128x128xf32, #tpu.memory_space<vmem_shared>> -> memref<128x128xf32, #tpu.memory_space<vmem_shared>>
      tpu.wait_dma2 semaphore(%arg19 : memref<!tpu.dma_semaphore, #tpu.memory_space<semaphore_mem>>) src(%arg9 : memref<128x128xf32, #tpu.memory_space<vmem>>) dst(%dma_wait3A_282 : memref<128x128xf32, #tpu.memory_space<vmem_shared>>)
      %mul3A_283 = arith.constant 128 : i32
      %mul3A_284 = arith.muli %add3A_251, %mul3A_283 : i32
      %add3A_285 = arith.addi %mul3A_2, %mul3A_284 : i32
      %dma_start3A_286 = arith.constant 2 : i32
      %dma_start3A_287 = arith.constant 0 : i32
      %dma_start3A_288 = tpu.memref_slice %arg4[%add3A_285, %dma_start3A_287] : memref<819200x128xf32, #tpu.memory_space<hbm>> -> memref<128x128xf32, #tpu.memory_space<hbm>>
      %dma_start3A_289 = arith.constant 0 : i32
      %dma_start3A_290 = arith.constant 0 : i32
      %dma_start3A_291 = tpu.memref_slice %arg6[%arg1, %dma_start3A_286, %dma_start3A_289, %dma_start3A_290] : memref<16x3x128x128xf32, #tpu.memory_space<vmem_shared>> -> memref<1x1x128x128xf32, #tpu.memory_space<vmem_shared>>
      %dma_start3A_292 = tpu.memref_squeeze %dma_start3A_291 : memref<1x1x128x128xf32, #tpu.memory_space<vmem_shared>> -> memref<128x128xf32, #tpu.memory_space<vmem_shared>>
      tpu.enqueue_dma source(%dma_start3A_292 : memref<128x128xf32, #tpu.memory_space<vmem_shared>>) target(%dma_start3A_288 : memref<128x128xf32, #tpu.memory_space<hbm>>) target_semaphore(%arg22 : memref<!tpu.dma_semaphore, #tpu.memory_space<semaphore_mem>>)
      %add3A_293 = arith.constant 4 : i32
      %add3A_294 = arith.addi %add3A_251, %add3A_293 : i32
      %lt3A_295 = arith.constant 200 : i32
      %lt3A_296 = arith.cmpi slt, %add3A_294, %lt3A_295 : i32
      %convert_element_type3A_297 = arith.extui %lt3A_296 : i1 to i32
      %cond3A_298 = arith.constant 0 : i32
      %cond3A_299 = arith.cmpi ne, %convert_element_type3A_297, %cond3A_298 : i32
      scf.if %cond3A_299 {
        %add3A_510 = arith.constant 4 : i32
        %add3A_511 = arith.addi %add3A_251, %add3A_510 : i32
        %dma_start3A_512 = arith.constant 1 : i32
        %dma_start3A_513 = arith.constant 2 : i32
        %dma_start3A_514 = arith.constant 0 : i32
        %dma_start3A_515 = tpu.memref_slice %arg5[%dma_start3A_512, %dma_start3A_513, %dma_start3A_514] : memref<2x4x128xi32, #tpu.memory_space<vmem>> -> memref<1x1x128xi32, #tpu.memory_space<vmem>>
        %dma_start3A_516 = tpu.memref_squeeze %dma_start3A_515 : memref<1x1x128xi32, #tpu.memory_space<vmem>> -> memref<128xi32, #tpu.memory_space<vmem>>
        %dma_start3A_517 = arith.constant 0 : i32
        %dma_start3A_518 = arith.constant 0 : i32
        %dma_start3A_519 = tpu.memref_slice %arg2[%dma_start3A_517, %dma_start3A_518] : memref<100000x128xf32, #tpu.memory_space<hbm>> -> memref<100000x128xf32, #tpu.memory_space<hbm>>
        tpu.enqueue_indirect_dma source(%dma_start3A_519 : memref<100000x128xf32, #tpu.memory_space<hbm>>) target(%arg9 : memref<128x128xf32, #tpu.memory_space<vmem>>) offsets(%dma_start3A_516 : memref<128xi32, #tpu.memory_space<vmem>>) semaphore(%arg15 : memref<!tpu.dma_semaphore, #tpu.memory_space<semaphore_mem>>)
      } else {
      }
      %add3A_300 = arith.constant 3 : i32
      %add3A_301 = arith.addi %mul3A_129, %add3A_300 : i32
      %add3A_302 = arith.constant 4 : i32
      %add3A_303 = arith.addi %add3A_301, %add3A_302 : i32
      %lt3A_304 = arith.constant 200 : i32
      %lt3A_305 = arith.cmpi slt, %add3A_303, %lt3A_304 : i32
      %convert_element_type3A_306 = arith.extui %lt3A_305 : i1 to i32
      %cond3A_307 = arith.constant 0 : i32
      %cond3A_308 = arith.cmpi ne, %convert_element_type3A_306, %cond3A_307 : i32
      scf.if %cond3A_308 {
        %mul3A_510 = arith.constant 128 : i32
        %mul3A_511 = arith.muli %add3A_301, %mul3A_510 : i32
        %add3A_512 = arith.addi %mul3A_2, %mul3A_511 : i32
        %dma_wait3A_513 = arith.constant 0 : i32
        %dma_wait3A_514 = tpu.memref_slice %arg4[%add3A_512, %dma_wait3A_513] : memref<819200x128xf32, #tpu.memory_space<hbm>> -> memref<128x128xf32, #tpu.memory_space<hbm>>
        %dma_wait3A_515 = arith.constant 0 : i32
        %dma_wait3A_516 = tpu.memref_slice %arg4[%add3A_512, %dma_wait3A_515] : memref<819200x128xf32, #tpu.memory_space<hbm>> -> memref<128x128xf32, #tpu.memory_space<hbm>>
        tpu.wait_dma2 semaphore(%arg23 : memref<!tpu.dma_semaphore, #tpu.memory_space<semaphore_mem>>) src(%arg10 : memref<128x128xf32, #tpu.memory_space<vmem>>) dst(%dma_wait3A_516 : memref<128x128xf32, #tpu.memory_space<hbm>>)
        %add3A_517 = arith.constant 4 : i32
        %add3A_518 = arith.addi %add3A_301, %add3A_517 : i32
        %dma_start3A_519 = arith.constant 1 : i32
        %dma_start3A_520 = arith.constant 3 : i32
        %dma_start3A_521 = arith.constant 0 : i32
        %dma_start3A_522 = tpu.memref_slice %arg5[%dma_start3A_519, %dma_start3A_520, %dma_start3A_521] : memref<2x4x128xi32, #tpu.memory_space<vmem>> -> memref<1x1x128xi32, #tpu.memory_space<vmem>>
        %dma_start3A_523 = tpu.memref_squeeze %dma_start3A_522 : memref<1x1x128xi32, #tpu.memory_space<vmem>> -> memref<128xi32, #tpu.memory_space<vmem>>
        %dma_start3A_524 = arith.constant 0 : i32
        %dma_start3A_525 = arith.constant 0 : i32
        %dma_start3A_526 = tpu.memref_slice %arg2[%dma_start3A_524, %dma_start3A_525] : memref<100000x128xf32, #tpu.memory_space<hbm>> -> memref<100000x128xf32, #tpu.memory_space<hbm>>
        tpu.enqueue_indirect_dma source(%dma_start3A_526 : memref<100000x128xf32, #tpu.memory_space<hbm>>) target(%arg10 : memref<128x128xf32, #tpu.memory_space<vmem>>) offsets(%dma_start3A_523 : memref<128xi32, #tpu.memory_space<vmem>>) semaphore(%arg16 : memref<!tpu.dma_semaphore, #tpu.memory_space<semaphore_mem>>)
      } else {
      }
      %add3A_309 = arith.constant 2 : i32
      %add3A_310 = arith.addi %add3A_127, %add3A_309 : i32
      %lt3A_311 = arith.constant 50 : i32
      %lt3A_312 = arith.cmpi slt, %add3A_310, %lt3A_311 : i32
      %convert_element_type3A_313 = arith.extui %lt3A_312 : i1 to i32
      %cond3A_314 = arith.constant 0 : i32
      %cond3A_315 = arith.cmpi ne, %convert_element_type3A_313, %cond3A_314 : i32
      scf.if %cond3A_315 {
        %add3A_510 = arith.constant 2 : i32
        %add3A_511 = arith.addi %add3A_127, %add3A_510 : i32
        %mul3A_512 = arith.constant 4 : i32
        %mul3A_513 = arith.muli %add3A_511, %mul3A_512 : i32
        %dma_start3A_514 = arith.constant 0 : i32
        %dma_start3A_515 = arith.constant 0 : i32
        %dma_start3A_516 = arith.constant 0 : i32
        %dma_start3A_517 = tpu.memref_slice %arg5[%dma_start3A_514, %dma_start3A_515, %dma_start3A_516] : memref<2x4x128xi32, #tpu.memory_space<vmem>> -> memref<1x4x128xi32, #tpu.memory_space<vmem>>
        %dma_start3A_518 = tpu.memref_squeeze %dma_start3A_517 : memref<1x4x128xi32, #tpu.memory_space<vmem>> -> memref<4x128xi32, #tpu.memory_space<vmem>>
        %dma_start3A_519 = arith.constant 0 : i32
        %dma_start3A_520 = tpu.memref_slice %arg3[%add3A, %mul3A_513, %dma_start3A_519] : memref<32x200x128xi32, #tpu.memory_space<hbm>> -> memref<1x4x128xi32, #tpu.memory_space<hbm>>
        %dma_start3A_521 = tpu.memref_squeeze %dma_start3A_520 : memref<1x4x128xi32, #tpu.memory_space<hbm>> -> memref<4x128xi32, #tpu.memory_space<hbm>>
        %dma_start3A_522 = arith.constant 0 : i32
        %dma_start3A_523 = arith.constant 0 : i32
        %dma_start3A_524 = tpu.memref_slice %arg5[%dma_start3A_514, %dma_start3A_522, %dma_start3A_523] : memref<2x4x128xi32, #tpu.memory_space<vmem>> -> memref<1x4x128xi32, #tpu.memory_space<vmem>>
        %dma_start3A_525 = tpu.memref_squeeze %dma_start3A_524 : memref<1x4x128xi32, #tpu.memory_space<vmem>> -> memref<4x128xi32, #tpu.memory_space<vmem>>
        %dma_start3A_526 = arith.constant 0 : i32
        %dma_start3A_527 = tpu.memref_slice %arg3[%add3A, %mul3A_513, %dma_start3A_526] : memref<32x200x128xi32, #tpu.memory_space<hbm>> -> memref<1x4x128xi32, #tpu.memory_space<hbm>>
        %dma_start3A_528 = tpu.memref_squeeze %dma_start3A_527 : memref<1x4x128xi32, #tpu.memory_space<hbm>> -> memref<4x128xi32, #tpu.memory_space<hbm>>
        tpu.enqueue_dma source(%dma_start3A_528 : memref<4x128xi32, #tpu.memory_space<hbm>>) target(%dma_start3A_525 : memref<4x128xi32, #tpu.memory_space<vmem>>) target_semaphore(%arg11 : memref<!tpu.dma_semaphore, #tpu.memory_space<semaphore_mem>>)
      } else {
      }
      %add3A_316 = arith.constant 1 : i32
      %add3A_317 = arith.addi %add3A_125, %add3A_316 : i32
      %mul3A_318 = arith.constant 4 : i32
      %mul3A_319 = arith.muli %add3A_317, %mul3A_318 : i32
      %add3A_320 = arith.constant 1 : i32
      %add3A_321 = arith.addi %add3A_317, %add3A_320 : i32
      %lt3A_322 = arith.constant 50 : i32
      %lt3A_323 = arith.cmpi slt, %add3A_321, %lt3A_322 : i32
      %convert_element_type3A_324 = arith.extui %lt3A_323 : i1 to i32
      %cond3A_325 = arith.constant 0 : i32
      %cond3A_326 = arith.cmpi ne, %convert_element_type3A_324, %cond3A_325 : i32
      scf.if %cond3A_326 {
        %add3A_510 = arith.constant 1 : i32
        %add3A_511 = arith.addi %add3A_317, %add3A_510 : i32
        %mul3A_512 = arith.constant 4 : i32
        %mul3A_513 = arith.muli %add3A_511, %mul3A_512 : i32
        %dma_wait3A_514 = arith.constant 0 : i32
        %dma_wait3A_515 = arith.constant 0 : i32
        %dma_wait3A_516 = arith.constant 0 : i32
        %dma_wait3A_517 = tpu.memref_slice %arg5[%dma_wait3A_514, %dma_wait3A_515, %dma_wait3A_516] : memref<2x4x128xi32, #tpu.memory_space<vmem>> -> memref<1x4x128xi32, #tpu.memory_space<vmem>>
        %dma_wait3A_518 = tpu.memref_squeeze %dma_wait3A_517 : memref<1x4x128xi32, #tpu.memory_space<vmem>> -> memref<4x128xi32, #tpu.memory_space<vmem>>
        %dma_wait3A_519 = arith.constant 0 : i32
        %dma_wait3A_520 = tpu.memref_slice %arg3[%add3A, %mul3A_513, %dma_wait3A_519] : memref<32x200x128xi32, #tpu.memory_space<hbm>> -> memref<1x4x128xi32, #tpu.memory_space<hbm>>
        %dma_wait3A_521 = tpu.memref_squeeze %dma_wait3A_520 : memref<1x4x128xi32, #tpu.memory_space<hbm>> -> memref<4x128xi32, #tpu.memory_space<hbm>>
        %dma_wait3A_522 = arith.constant 0 : i32
        %dma_wait3A_523 = arith.constant 0 : i32
        %dma_wait3A_524 = tpu.memref_slice %arg5[%dma_wait3A_514, %dma_wait3A_522, %dma_wait3A_523] : memref<2x4x128xi32, #tpu.memory_space<vmem>> -> memref<1x4x128xi32, #tpu.memory_space<vmem>>
        %dma_wait3A_525 = tpu.memref_squeeze %dma_wait3A_524 : memref<1x4x128xi32, #tpu.memory_space<vmem>> -> memref<4x128xi32, #tpu.memory_space<vmem>>
        %dma_wait3A_526 = arith.constant 0 : i32
        %dma_wait3A_527 = tpu.memref_slice %arg3[%add3A, %mul3A_513, %dma_wait3A_526] : memref<32x200x128xi32, #tpu.memory_space<hbm>> -> memref<1x4x128xi32, #tpu.memory_space<hbm>>
        %dma_wait3A_528 = tpu.memref_squeeze %dma_wait3A_527 : memref<1x4x128xi32, #tpu.memory_space<hbm>> -> memref<4x128xi32, #tpu.memory_space<hbm>>
        tpu.wait_dma2 semaphore(%arg11 : memref<!tpu.dma_semaphore, #tpu.memory_space<semaphore_mem>>) src(%dma_wait3A_528 : memref<4x128xi32, #tpu.memory_space<hbm>>) dst(%dma_wait3A_525 : memref<4x128xi32, #tpu.memory_space<vmem>>)
      } else {
      }
      %add3A_327 = arith.constant 3 : i32
      %add3A_328 = arith.addi %mul3A_319, %add3A_327 : i32
      %dma_wait3A_329 = arith.constant 1 : i32
      %dma_wait3A_330 = arith.constant 3 : i32
      %dma_wait3A_331 = arith.constant 0 : i32
      %dma_wait3A_332 = tpu.memref_slice %arg5[%dma_wait3A_329, %dma_wait3A_330, %dma_wait3A_331] : memref<2x4x128xi32, #tpu.memory_space<vmem>> -> memref<1x1x128xi32, #tpu.memory_space<vmem>>
      %dma_wait3A_333 = tpu.memref_squeeze %dma_wait3A_332 : memref<1x1x128xi32, #tpu.memory_space<vmem>> -> memref<128xi32, #tpu.memory_space<vmem>>
      %dma_wait3A_334 = arith.constant 0 : i32
      %dma_wait3A_335 = arith.constant 0 : i32
      %dma_wait3A_336 = tpu.memref_slice %arg2[%dma_wait3A_334, %dma_wait3A_335] : memref<100000x128xf32, #tpu.memory_space<hbm>> -> memref<100000x128xf32, #tpu.memory_space<hbm>>
      tpu.wait_indirect_dma semaphore(%arg16 : memref<!tpu.dma_semaphore, #tpu.memory_space<semaphore_mem>>) src(%dma_wait3A_336 : memref<100000x128xf32, #tpu.memory_space<hbm>>) dst(%arg10 : memref<128x128xf32, #tpu.memory_space<vmem>>)
      %mul3A_337 = arith.constant 128 : i32
      %mul3A_338 = arith.muli %add3A_328, %mul3A_337 : i32
      %add3A_339 = arith.addi %mul3A_2, %mul3A_338 : i32
      %dma_start3A_340 = arith.constant 0 : i32
      %dma_start3A_341 = tpu.memref_slice %arg4[%add3A_339, %dma_start3A_340] : memref<819200x128xf32, #tpu.memory_space<hbm>> -> memref<128x128xf32, #tpu.memory_space<hbm>>
      %dma_start3A_342 = arith.constant 0 : i32
      %dma_start3A_343 = tpu.memref_slice %arg4[%add3A_339, %dma_start3A_342] : memref<819200x128xf32, #tpu.memory_space<hbm>> -> memref<128x128xf32, #tpu.memory_space<hbm>>
      tpu.enqueue_dma source(%arg10 : memref<128x128xf32, #tpu.memory_space<vmem>>) target(%dma_start3A_343 : memref<128x128xf32, #tpu.memory_space<hbm>>) target_semaphore(%arg23 : memref<!tpu.dma_semaphore, #tpu.memory_space<semaphore_mem>>)
      %add3A_344 = arith.constant 0 : i32
      %add3A_345 = arith.addi %mul3A_319, %add3A_344 : i32
      %ge3A_346 = arith.constant 4 : i32
      %ge3A_347 = arith.cmpi sge, %add3A_345, %ge3A_346 : i32
      %convert_element_type3A_348 = arith.extui %ge3A_347 : i1 to i32
      %cond3A_349 = arith.constant 0 : i32
      %cond3A_350 = arith.cmpi ne, %convert_element_type3A_348, %cond3A_349 : i32
      scf.if %cond3A_350 {
        %sub3A = arith.constant 4 : i32
        %sub3A_510 = arith.subi %add3A_345, %sub3A : i32
        %mul3A_511 = arith.constant 128 : i32
        %mul3A_512 = arith.muli %sub3A_510, %mul3A_511 : i32
        %add3A_513 = arith.addi %mul3A_2, %mul3A_512 : i32
        %dma_wait3A_514 = arith.constant 0 : i32
        %dma_wait3A_515 = arith.constant 0 : i32
        %dma_wait3A_516 = tpu.memref_slice %arg4[%add3A_513, %dma_wait3A_515] : memref<819200x128xf32, #tpu.memory_space<hbm>> -> memref<128x128xf32, #tpu.memory_space<hbm>>
        %dma_wait3A_517 = arith.constant 0 : i32
        %dma_wait3A_518 = arith.constant 0 : i32
        %dma_wait3A_519 = tpu.memref_slice %arg6[%arg1, %dma_wait3A_514, %dma_wait3A_517, %dma_wait3A_518] : memref<16x3x128x128xf32, #tpu.memory_space<vmem_shared>> -> memref<1x1x128x128xf32, #tpu.memory_space<vmem_shared>>
        %dma_wait3A_520 = tpu.memref_squeeze %dma_wait3A_519 : memref<1x1x128x128xf32, #tpu.memory_space<vmem_shared>> -> memref<128x128xf32, #tpu.memory_space<vmem_shared>>
        tpu.wait_dma2 semaphore(%arg20 : memref<!tpu.dma_semaphore, #tpu.memory_space<semaphore_mem>>) src(%dma_wait3A_520 : memref<128x128xf32, #tpu.memory_space<vmem_shared>>) dst(%dma_wait3A_516 : memref<128x128xf32, #tpu.memory_space<hbm>>)
      } else {
      }
      %dma_wait3A_351 = arith.constant 1 : i32
      %dma_wait3A_352 = arith.constant 0 : i32
      %dma_wait3A_353 = arith.constant 0 : i32
      %dma_wait3A_354 = tpu.memref_slice %arg5[%dma_wait3A_351, %dma_wait3A_352, %dma_wait3A_353] : memref<2x4x128xi32, #tpu.memory_space<vmem>> -> memref<1x1x128xi32, #tpu.memory_space<vmem>>
      %dma_wait3A_355 = tpu.memref_squeeze %dma_wait3A_354 : memref<1x1x128xi32, #tpu.memory_space<vmem>> -> memref<128xi32, #tpu.memory_space<vmem>>
      %dma_wait3A_356 = arith.constant 0 : i32
      %dma_wait3A_357 = arith.constant 0 : i32
      %dma_wait3A_358 = tpu.memref_slice %arg2[%dma_wait3A_356, %dma_wait3A_357] : memref<100000x128xf32, #tpu.memory_space<hbm>> -> memref<100000x128xf32, #tpu.memory_space<hbm>>
      tpu.wait_indirect_dma semaphore(%arg13 : memref<!tpu.dma_semaphore, #tpu.memory_space<semaphore_mem>>) src(%dma_wait3A_358 : memref<100000x128xf32, #tpu.memory_space<hbm>>) dst(%arg7 : memref<128x128xf32, #tpu.memory_space<vmem>>)
      %dma_start3A_359 = arith.constant 0 : i32
      %dma_start3A_360 = arith.constant 0 : i32
      %dma_start3A_361 = arith.constant 0 : i32
      %dma_start3A_362 = tpu.memref_slice %arg6[%arg1, %dma_start3A_359, %dma_start3A_360, %dma_start3A_361] : memref<16x3x128x128xf32, #tpu.memory_space<vmem_shared>> -> memref<1x1x128x128xf32, #tpu.memory_space<vmem_shared>>
      %dma_start3A_363 = tpu.memref_squeeze %dma_start3A_362 : memref<1x1x128x128xf32, #tpu.memory_space<vmem_shared>> -> memref<128x128xf32, #tpu.memory_space<vmem_shared>>
      %dma_start3A_364 = arith.constant 0 : i32
      %dma_start3A_365 = arith.constant 0 : i32
      %dma_start3A_366 = tpu.memref_slice %arg6[%arg1, %dma_start3A_359, %dma_start3A_364, %dma_start3A_365] : memref<16x3x128x128xf32, #tpu.memory_space<vmem_shared>> -> memref<1x1x128x128xf32, #tpu.memory_space<vmem_shared>>
      %dma_start3A_367 = tpu.memref_squeeze %dma_start3A_366 : memref<1x1x128x128xf32, #tpu.memory_space<vmem_shared>> -> memref<128x128xf32, #tpu.memory_space<vmem_shared>>
      tpu.enqueue_dma source(%arg7 : memref<128x128xf32, #tpu.memory_space<vmem>>) target(%dma_start3A_367 : memref<128x128xf32, #tpu.memory_space<vmem_shared>>) target_semaphore(%arg17 : memref<!tpu.dma_semaphore, #tpu.memory_space<semaphore_mem>>)
      %dma_wait3A_368 = arith.constant 0 : i32
      %dma_wait3A_369 = arith.constant 0 : i32
      %dma_wait3A_370 = arith.constant 0 : i32
      %dma_wait3A_371 = tpu.memref_slice %arg6[%arg1, %dma_wait3A_368, %dma_wait3A_369, %dma_wait3A_370] : memref<16x3x128x128xf32, #tpu.memory_space<vmem_shared>> -> memref<1x1x128x128xf32, #tpu.memory_space<vmem_shared>>
      %dma_wait3A_372 = tpu.memref_squeeze %dma_wait3A_371 : memref<1x1x128x128xf32, #tpu.memory_space<vmem_shared>> -> memref<128x128xf32, #tpu.memory_space<vmem_shared>>
      %dma_wait3A_373 = arith.constant 0 : i32
      %dma_wait3A_374 = arith.constant 0 : i32
      %dma_wait3A_375 = tpu.memref_slice %arg6[%arg1, %dma_wait3A_368, %dma_wait3A_373, %dma_wait3A_374] : memref<16x3x128x128xf32, #tpu.memory_space<vmem_shared>> -> memref<1x1x128x128xf32, #tpu.memory_space<vmem_shared>>
      %dma_wait3A_376 = tpu.memref_squeeze %dma_wait3A_375 : memref<1x1x128x128xf32, #tpu.memory_space<vmem_shared>> -> memref<128x128xf32, #tpu.memory_space<vmem_shared>>
      tpu.wait_dma2 semaphore(%arg17 : memref<!tpu.dma_semaphore, #tpu.memory_space<semaphore_mem>>) src(%arg7 : memref<128x128xf32, #tpu.memory_space<vmem>>) dst(%dma_wait3A_376 : memref<128x128xf32, #tpu.memory_space<vmem_shared>>)
      %mul3A_377 = arith.constant 128 : i32
      %mul3A_378 = arith.muli %add3A_345, %mul3A_377 : i32
      %add3A_379 = arith.addi %mul3A_2, %mul3A_378 : i32
      %dma_start3A_380 = arith.constant 0 : i32
      %dma_start3A_381 = arith.constant 0 : i32
      %dma_start3A_382 = tpu.memref_slice %arg4[%add3A_379, %dma_start3A_381] : memref<819200x128xf32, #tpu.memory_space<hbm>> -> memref<128x128xf32, #tpu.memory_space<hbm>>
      %dma_start3A_383 = arith.constant 0 : i32
      %dma_start3A_384 = arith.constant 0 : i32
      %dma_start3A_385 = tpu.memref_slice %arg6[%arg1, %dma_start3A_380, %dma_start3A_383, %dma_start3A_384] : memref<16x3x128x128xf32, #tpu.memory_space<vmem_shared>> -> memref<1x1x128x128xf32, #tpu.memory_space<vmem_shared>>
      %dma_start3A_386 = tpu.memref_squeeze %dma_start3A_385 : memref<1x1x128x128xf32, #tpu.memory_space<vmem_shared>> -> memref<128x128xf32, #tpu.memory_space<vmem_shared>>
      tpu.enqueue_dma source(%dma_start3A_386 : memref<128x128xf32, #tpu.memory_space<vmem_shared>>) target(%dma_start3A_382 : memref<128x128xf32, #tpu.memory_space<hbm>>) target_semaphore(%arg20 : memref<!tpu.dma_semaphore, #tpu.memory_space<semaphore_mem>>)
      %add3A_387 = arith.constant 4 : i32
      %add3A_388 = arith.addi %add3A_345, %add3A_387 : i32
      %lt3A_389 = arith.constant 200 : i32
      %lt3A_390 = arith.cmpi slt, %add3A_388, %lt3A_389 : i32
      %convert_element_type3A_391 = arith.extui %lt3A_390 : i1 to i32
      %cond3A_392 = arith.constant 0 : i32
      %cond3A_393 = arith.cmpi ne, %convert_element_type3A_391, %cond3A_392 : i32
      scf.if %cond3A_393 {
        %add3A_510 = arith.constant 4 : i32
        %add3A_511 = arith.addi %add3A_345, %add3A_510 : i32
        %dma_start3A_512 = arith.constant 0 : i32
        %dma_start3A_513 = arith.constant 0 : i32
        %dma_start3A_514 = arith.constant 0 : i32
        %dma_start3A_515 = tpu.memref_slice %arg5[%dma_start3A_512, %dma_start3A_513, %dma_start3A_514] : memref<2x4x128xi32, #tpu.memory_space<vmem>> -> memref<1x1x128xi32, #tpu.memory_space<vmem>>
        %dma_start3A_516 = tpu.memref_squeeze %dma_start3A_515 : memref<1x1x128xi32, #tpu.memory_space<vmem>> -> memref<128xi32, #tpu.memory_space<vmem>>
        %dma_start3A_517 = arith.constant 0 : i32
        %dma_start3A_518 = arith.constant 0 : i32
        %dma_start3A_519 = tpu.memref_slice %arg2[%dma_start3A_517, %dma_start3A_518] : memref<100000x128xf32, #tpu.memory_space<hbm>> -> memref<100000x128xf32, #tpu.memory_space<hbm>>
        tpu.enqueue_indirect_dma source(%dma_start3A_519 : memref<100000x128xf32, #tpu.memory_space<hbm>>) target(%arg7 : memref<128x128xf32, #tpu.memory_space<vmem>>) offsets(%dma_start3A_516 : memref<128xi32, #tpu.memory_space<vmem>>) semaphore(%arg13 : memref<!tpu.dma_semaphore, #tpu.memory_space<semaphore_mem>>)
      } else {
      }
      %add3A_394 = arith.constant 1 : i32
      %add3A_395 = arith.addi %mul3A_319, %add3A_394 : i32
      %ge3A_396 = arith.constant 4 : i32
      %ge3A_397 = arith.cmpi sge, %add3A_395, %ge3A_396 : i32
      %convert_element_type3A_398 = arith.extui %ge3A_397 : i1 to i32
      %cond3A_399 = arith.constant 0 : i32
      %cond3A_400 = arith.cmpi ne, %convert_element_type3A_398, %cond3A_399 : i32
      scf.if %cond3A_400 {
        %sub3A = arith.constant 4 : i32
        %sub3A_510 = arith.subi %add3A_395, %sub3A : i32
        %mul3A_511 = arith.constant 128 : i32
        %mul3A_512 = arith.muli %sub3A_510, %mul3A_511 : i32
        %add3A_513 = arith.addi %mul3A_2, %mul3A_512 : i32
        %dma_wait3A_514 = arith.constant 1 : i32
        %dma_wait3A_515 = arith.constant 0 : i32
        %dma_wait3A_516 = tpu.memref_slice %arg4[%add3A_513, %dma_wait3A_515] : memref<819200x128xf32, #tpu.memory_space<hbm>> -> memref<128x128xf32, #tpu.memory_space<hbm>>
        %dma_wait3A_517 = arith.constant 0 : i32
        %dma_wait3A_518 = arith.constant 0 : i32
        %dma_wait3A_519 = tpu.memref_slice %arg6[%arg1, %dma_wait3A_514, %dma_wait3A_517, %dma_wait3A_518] : memref<16x3x128x128xf32, #tpu.memory_space<vmem_shared>> -> memref<1x1x128x128xf32, #tpu.memory_space<vmem_shared>>
        %dma_wait3A_520 = tpu.memref_squeeze %dma_wait3A_519 : memref<1x1x128x128xf32, #tpu.memory_space<vmem_shared>> -> memref<128x128xf32, #tpu.memory_space<vmem_shared>>
        tpu.wait_dma2 semaphore(%arg21 : memref<!tpu.dma_semaphore, #tpu.memory_space<semaphore_mem>>) src(%dma_wait3A_520 : memref<128x128xf32, #tpu.memory_space<vmem_shared>>) dst(%dma_wait3A_516 : memref<128x128xf32, #tpu.memory_space<hbm>>)
      } else {
      }
      %dma_wait3A_401 = arith.constant 1 : i32
      %dma_wait3A_402 = arith.constant 1 : i32
      %dma_wait3A_403 = arith.constant 0 : i32
      %dma_wait3A_404 = tpu.memref_slice %arg5[%dma_wait3A_401, %dma_wait3A_402, %dma_wait3A_403] : memref<2x4x128xi32, #tpu.memory_space<vmem>> -> memref<1x1x128xi32, #tpu.memory_space<vmem>>
      %dma_wait3A_405 = tpu.memref_squeeze %dma_wait3A_404 : memref<1x1x128xi32, #tpu.memory_space<vmem>> -> memref<128xi32, #tpu.memory_space<vmem>>
      %dma_wait3A_406 = arith.constant 0 : i32
      %dma_wait3A_407 = arith.constant 0 : i32
      %dma_wait3A_408 = tpu.memref_slice %arg2[%dma_wait3A_406, %dma_wait3A_407] : memref<100000x128xf32, #tpu.memory_space<hbm>> -> memref<100000x128xf32, #tpu.memory_space<hbm>>
      tpu.wait_indirect_dma semaphore(%arg14 : memref<!tpu.dma_semaphore, #tpu.memory_space<semaphore_mem>>) src(%dma_wait3A_408 : memref<100000x128xf32, #tpu.memory_space<hbm>>) dst(%arg8 : memref<128x128xf32, #tpu.memory_space<vmem>>)
      %dma_start3A_409 = arith.constant 1 : i32
      %dma_start3A_410 = arith.constant 0 : i32
      %dma_start3A_411 = arith.constant 0 : i32
      %dma_start3A_412 = tpu.memref_slice %arg6[%arg1, %dma_start3A_409, %dma_start3A_410, %dma_start3A_411] : memref<16x3x128x128xf32, #tpu.memory_space<vmem_shared>> -> memref<1x1x128x128xf32, #tpu.memory_space<vmem_shared>>
      %dma_start3A_413 = tpu.memref_squeeze %dma_start3A_412 : memref<1x1x128x128xf32, #tpu.memory_space<vmem_shared>> -> memref<128x128xf32, #tpu.memory_space<vmem_shared>>
      %dma_start3A_414 = arith.constant 0 : i32
      %dma_start3A_415 = arith.constant 0 : i32
      %dma_start3A_416 = tpu.memref_slice %arg6[%arg1, %dma_start3A_409, %dma_start3A_414, %dma_start3A_415] : memref<16x3x128x128xf32, #tpu.memory_space<vmem_shared>> -> memref<1x1x128x128xf32, #tpu.memory_space<vmem_shared>>
      %dma_start3A_417 = tpu.memref_squeeze %dma_start3A_416 : memref<1x1x128x128xf32, #tpu.memory_space<vmem_shared>> -> memref<128x128xf32, #tpu.memory_space<vmem_shared>>
      tpu.enqueue_dma source(%arg8 : memref<128x128xf32, #tpu.memory_space<vmem>>) target(%dma_start3A_417 : memref<128x128xf32, #tpu.memory_space<vmem_shared>>) target_semaphore(%arg18 : memref<!tpu.dma_semaphore, #tpu.memory_space<semaphore_mem>>)
      %dma_wait3A_418 = arith.constant 1 : i32
      %dma_wait3A_419 = arith.constant 0 : i32
      %dma_wait3A_420 = arith.constant 0 : i32
      %dma_wait3A_421 = tpu.memref_slice %arg6[%arg1, %dma_wait3A_418, %dma_wait3A_419, %dma_wait3A_420] : memref<16x3x128x128xf32, #tpu.memory_space<vmem_shared>> -> memref<1x1x128x128xf32, #tpu.memory_space<vmem_shared>>
      %dma_wait3A_422 = tpu.memref_squeeze %dma_wait3A_421 : memref<1x1x128x128xf32, #tpu.memory_space<vmem_shared>> -> memref<128x128xf32, #tpu.memory_space<vmem_shared>>
      %dma_wait3A_423 = arith.constant 0 : i32
      %dma_wait3A_424 = arith.constant 0 : i32
      %dma_wait3A_425 = tpu.memref_slice %arg6[%arg1, %dma_wait3A_418, %dma_wait3A_423, %dma_wait3A_424] : memref<16x3x128x128xf32, #tpu.memory_space<vmem_shared>> -> memref<1x1x128x128xf32, #tpu.memory_space<vmem_shared>>
      %dma_wait3A_426 = tpu.memref_squeeze %dma_wait3A_425 : memref<1x1x128x128xf32, #tpu.memory_space<vmem_shared>> -> memref<128x128xf32, #tpu.memory_space<vmem_shared>>
      tpu.wait_dma2 semaphore(%arg18 : memref<!tpu.dma_semaphore, #tpu.memory_space<semaphore_mem>>) src(%arg8 : memref<128x128xf32, #tpu.memory_space<vmem>>) dst(%dma_wait3A_426 : memref<128x128xf32, #tpu.memory_space<vmem_shared>>)
      %mul3A_427 = arith.constant 128 : i32
      %mul3A_428 = arith.muli %add3A_395, %mul3A_427 : i32
      %add3A_429 = arith.addi %mul3A_2, %mul3A_428 : i32
      %dma_start3A_430 = arith.constant 1 : i32
      %dma_start3A_431 = arith.constant 0 : i32
      %dma_start3A_432 = tpu.memref_slice %arg4[%add3A_429, %dma_start3A_431] : memref<819200x128xf32, #tpu.memory_space<hbm>> -> memref<128x128xf32, #tpu.memory_space<hbm>>
      %dma_start3A_433 = arith.constant 0 : i32
      %dma_start3A_434 = arith.constant 0 : i32
      %dma_start3A_435 = tpu.memref_slice %arg6[%arg1, %dma_start3A_430, %dma_start3A_433, %dma_start3A_434] : memref<16x3x128x128xf32, #tpu.memory_space<vmem_shared>> -> memref<1x1x128x128xf32, #tpu.memory_space<vmem_shared>>
      %dma_start3A_436 = tpu.memref_squeeze %dma_start3A_435 : memref<1x1x128x128xf32, #tpu.memory_space<vmem_shared>> -> memref<128x128xf32, #tpu.memory_space<vmem_shared>>
      tpu.enqueue_dma source(%dma_start3A_436 : memref<128x128xf32, #tpu.memory_space<vmem_shared>>) target(%dma_start3A_432 : memref<128x128xf32, #tpu.memory_space<hbm>>) target_semaphore(%arg21 : memref<!tpu.dma_semaphore, #tpu.memory_space<semaphore_mem>>)
      %add3A_437 = arith.constant 4 : i32
      %add3A_438 = arith.addi %add3A_395, %add3A_437 : i32
      %lt3A_439 = arith.constant 200 : i32
      %lt3A_440 = arith.cmpi slt, %add3A_438, %lt3A_439 : i32
      %convert_element_type3A_441 = arith.extui %lt3A_440 : i1 to i32
      %cond3A_442 = arith.constant 0 : i32
      %cond3A_443 = arith.cmpi ne, %convert_element_type3A_441, %cond3A_442 : i32
      scf.if %cond3A_443 {
        %add3A_510 = arith.constant 4 : i32
        %add3A_511 = arith.addi %add3A_395, %add3A_510 : i32
        %dma_start3A_512 = arith.constant 0 : i32
        %dma_start3A_513 = arith.constant 1 : i32
        %dma_start3A_514 = arith.constant 0 : i32
        %dma_start3A_515 = tpu.memref_slice %arg5[%dma_start3A_512, %dma_start3A_513, %dma_start3A_514] : memref<2x4x128xi32, #tpu.memory_space<vmem>> -> memref<1x1x128xi32, #tpu.memory_space<vmem>>
        %dma_start3A_516 = tpu.memref_squeeze %dma_start3A_515 : memref<1x1x128xi32, #tpu.memory_space<vmem>> -> memref<128xi32, #tpu.memory_space<vmem>>
        %dma_start3A_517 = arith.constant 0 : i32
        %dma_start3A_518 = arith.constant 0 : i32
        %dma_start3A_519 = tpu.memref_slice %arg2[%dma_start3A_517, %dma_start3A_518] : memref<100000x128xf32, #tpu.memory_space<hbm>> -> memref<100000x128xf32, #tpu.memory_space<hbm>>
        tpu.enqueue_indirect_dma source(%dma_start3A_519 : memref<100000x128xf32, #tpu.memory_space<hbm>>) target(%arg8 : memref<128x128xf32, #tpu.memory_space<vmem>>) offsets(%dma_start3A_516 : memref<128xi32, #tpu.memory_space<vmem>>) semaphore(%arg14 : memref<!tpu.dma_semaphore, #tpu.memory_space<semaphore_mem>>)
      } else {
      }
      %add3A_444 = arith.constant 2 : i32
      %add3A_445 = arith.addi %mul3A_319, %add3A_444 : i32
      %ge3A_446 = arith.constant 4 : i32
      %ge3A_447 = arith.cmpi sge, %add3A_445, %ge3A_446 : i32
      %convert_element_type3A_448 = arith.extui %ge3A_447 : i1 to i32
      %cond3A_449 = arith.constant 0 : i32
      %cond3A_450 = arith.cmpi ne, %convert_element_type3A_448, %cond3A_449 : i32
      scf.if %cond3A_450 {
        %sub3A = arith.constant 4 : i32
        %sub3A_510 = arith.subi %add3A_445, %sub3A : i32
        %mul3A_511 = arith.constant 128 : i32
        %mul3A_512 = arith.muli %sub3A_510, %mul3A_511 : i32
        %add3A_513 = arith.addi %mul3A_2, %mul3A_512 : i32
        %dma_wait3A_514 = arith.constant 2 : i32
        %dma_wait3A_515 = arith.constant 0 : i32
        %dma_wait3A_516 = tpu.memref_slice %arg4[%add3A_513, %dma_wait3A_515] : memref<819200x128xf32, #tpu.memory_space<hbm>> -> memref<128x128xf32, #tpu.memory_space<hbm>>
        %dma_wait3A_517 = arith.constant 0 : i32
        %dma_wait3A_518 = arith.constant 0 : i32
        %dma_wait3A_519 = tpu.memref_slice %arg6[%arg1, %dma_wait3A_514, %dma_wait3A_517, %dma_wait3A_518] : memref<16x3x128x128xf32, #tpu.memory_space<vmem_shared>> -> memref<1x1x128x128xf32, #tpu.memory_space<vmem_shared>>
        %dma_wait3A_520 = tpu.memref_squeeze %dma_wait3A_519 : memref<1x1x128x128xf32, #tpu.memory_space<vmem_shared>> -> memref<128x128xf32, #tpu.memory_space<vmem_shared>>
        tpu.wait_dma2 semaphore(%arg22 : memref<!tpu.dma_semaphore, #tpu.memory_space<semaphore_mem>>) src(%dma_wait3A_520 : memref<128x128xf32, #tpu.memory_space<vmem_shared>>) dst(%dma_wait3A_516 : memref<128x128xf32, #tpu.memory_space<hbm>>)
      } else {
      }
      %dma_wait3A_451 = arith.constant 1 : i32
      %dma_wait3A_452 = arith.constant 2 : i32
      %dma_wait3A_453 = arith.constant 0 : i32
      %dma_wait3A_454 = tpu.memref_slice %arg5[%dma_wait3A_451, %dma_wait3A_452, %dma_wait3A_453] : memref<2x4x128xi32, #tpu.memory_space<vmem>> -> memref<1x1x128xi32, #tpu.memory_space<vmem>>
      %dma_wait3A_455 = tpu.memref_squeeze %dma_wait3A_454 : memref<1x1x128xi32, #tpu.memory_space<vmem>> -> memref<128xi32, #tpu.memory_space<vmem>>
      %dma_wait3A_456 = arith.constant 0 : i32
      %dma_wait3A_457 = arith.constant 0 : i32
      %dma_wait3A_458 = tpu.memref_slice %arg2[%dma_wait3A_456, %dma_wait3A_457] : memref<100000x128xf32, #tpu.memory_space<hbm>> -> memref<100000x128xf32, #tpu.memory_space<hbm>>
      tpu.wait_indirect_dma semaphore(%arg15 : memref<!tpu.dma_semaphore, #tpu.memory_space<semaphore_mem>>) src(%dma_wait3A_458 : memref<100000x128xf32, #tpu.memory_space<hbm>>) dst(%arg9 : memref<128x128xf32, #tpu.memory_space<vmem>>)
      %dma_start3A_459 = arith.constant 2 : i32
      %dma_start3A_460 = arith.constant 0 : i32
      %dma_start3A_461 = arith.constant 0 : i32
      %dma_start3A_462 = tpu.memref_slice %arg6[%arg1, %dma_start3A_459, %dma_start3A_460, %dma_start3A_461] : memref<16x3x128x128xf32, #tpu.memory_space<vmem_shared>> -> memref<1x1x128x128xf32, #tpu.memory_space<vmem_shared>>
      %dma_start3A_463 = tpu.memref_squeeze %dma_start3A_462 : memref<1x1x128x128xf32, #tpu.memory_space<vmem_shared>> -> memref<128x128xf32, #tpu.memory_space<vmem_shared>>
      %dma_start3A_464 = arith.constant 0 : i32
      %dma_start3A_465 = arith.constant 0 : i32
      %dma_start3A_466 = tpu.memref_slice %arg6[%arg1, %dma_start3A_459, %dma_start3A_464, %dma_start3A_465] : memref<16x3x128x128xf32, #tpu.memory_space<vmem_shared>> -> memref<1x1x128x128xf32, #tpu.memory_space<vmem_shared>>
      %dma_start3A_467 = tpu.memref_squeeze %dma_start3A_466 : memref<1x1x128x128xf32, #tpu.memory_space<vmem_shared>> -> memref<128x128xf32, #tpu.memory_space<vmem_shared>>
      tpu.enqueue_dma source(%arg9 : memref<128x128xf32, #tpu.memory_space<vmem>>) target(%dma_start3A_467 : memref<128x128xf32, #tpu.memory_space<vmem_shared>>) target_semaphore(%arg19 : memref<!tpu.dma_semaphore, #tpu.memory_space<semaphore_mem>>)
      %dma_wait3A_468 = arith.constant 2 : i32
      %dma_wait3A_469 = arith.constant 0 : i32
      %dma_wait3A_470 = arith.constant 0 : i32
      %dma_wait3A_471 = tpu.memref_slice %arg6[%arg1, %dma_wait3A_468, %dma_wait3A_469, %dma_wait3A_470] : memref<16x3x128x128xf32, #tpu.memory_space<vmem_shared>> -> memref<1x1x128x128xf32, #tpu.memory_space<vmem_shared>>
      %dma_wait3A_472 = tpu.memref_squeeze %dma_wait3A_471 : memref<1x1x128x128xf32, #tpu.memory_space<vmem_shared>> -> memref<128x128xf32, #tpu.memory_space<vmem_shared>>
      %dma_wait3A_473 = arith.constant 0 : i32
      %dma_wait3A_474 = arith.constant 0 : i32
      %dma_wait3A_475 = tpu.memref_slice %arg6[%arg1, %dma_wait3A_468, %dma_wait3A_473, %dma_wait3A_474] : memref<16x3x128x128xf32, #tpu.memory_space<vmem_shared>> -> memref<1x1x128x128xf32, #tpu.memory_space<vmem_shared>>
      %dma_wait3A_476 = tpu.memref_squeeze %dma_wait3A_475 : memref<1x1x128x128xf32, #tpu.memory_space<vmem_shared>> -> memref<128x128xf32, #tpu.memory_space<vmem_shared>>
      tpu.wait_dma2 semaphore(%arg19 : memref<!tpu.dma_semaphore, #tpu.memory_space<semaphore_mem>>) src(%arg9 : memref<128x128xf32, #tpu.memory_space<vmem>>) dst(%dma_wait3A_476 : memref<128x128xf32, #tpu.memory_space<vmem_shared>>)
      %mul3A_477 = arith.constant 128 : i32
      %mul3A_478 = arith.muli %add3A_445, %mul3A_477 : i32
      %add3A_479 = arith.addi %mul3A_2, %mul3A_478 : i32
      %dma_start3A_480 = arith.constant 2 : i32
      %dma_start3A_481 = arith.constant 0 : i32
      %dma_start3A_482 = tpu.memref_slice %arg4[%add3A_479, %dma_start3A_481] : memref<819200x128xf32, #tpu.memory_space<hbm>> -> memref<128x128xf32, #tpu.memory_space<hbm>>
      %dma_start3A_483 = arith.constant 0 : i32
      %dma_start3A_484 = arith.constant 0 : i32
      %dma_start3A_485 = tpu.memref_slice %arg6[%arg1, %dma_start3A_480, %dma_start3A_483, %dma_start3A_484] : memref<16x3x128x128xf32, #tpu.memory_space<vmem_shared>> -> memref<1x1x128x128xf32, #tpu.memory_space<vmem_shared>>
      %dma_start3A_486 = tpu.memref_squeeze %dma_start3A_485 : memref<1x1x128x128xf32, #tpu.memory_space<vmem_shared>> -> memref<128x128xf32, #tpu.memory_space<vmem_shared>>
      tpu.enqueue_dma source(%dma_start3A_486 : memref<128x128xf32, #tpu.memory_space<vmem_shared>>) target(%dma_start3A_482 : memref<128x128xf32, #tpu.memory_space<hbm>>) target_semaphore(%arg22 : memref<!tpu.dma_semaphore, #tpu.memory_space<semaphore_mem>>)
      %add3A_487 = arith.constant 4 : i32
      %add3A_488 = arith.addi %add3A_445, %add3A_487 : i32
      %lt3A_489 = arith.constant 200 : i32
      %lt3A_490 = arith.cmpi slt, %add3A_488, %lt3A_489 : i32
      %convert_element_type3A_491 = arith.extui %lt3A_490 : i1 to i32
      %cond3A_492 = arith.constant 0 : i32
      %cond3A_493 = arith.cmpi ne, %convert_element_type3A_491, %cond3A_492 : i32
      scf.if %cond3A_493 {
        %add3A_510 = arith.constant 4 : i32
        %add3A_511 = arith.addi %add3A_445, %add3A_510 : i32
        %dma_start3A_512 = arith.constant 0 : i32
        %dma_start3A_513 = arith.constant 2 : i32
        %dma_start3A_514 = arith.constant 0 : i32
        %dma_start3A_515 = tpu.memref_slice %arg5[%dma_start3A_512, %dma_start3A_513, %dma_start3A_514] : memref<2x4x128xi32, #tpu.memory_space<vmem>> -> memref<1x1x128xi32, #tpu.memory_space<vmem>>
        %dma_start3A_516 = tpu.memref_squeeze %dma_start3A_515 : memref<1x1x128xi32, #tpu.memory_space<vmem>> -> memref<128xi32, #tpu.memory_space<vmem>>
        %dma_start3A_517 = arith.constant 0 : i32
        %dma_start3A_518 = arith.constant 0 : i32
        %dma_start3A_519 = tpu.memref_slice %arg2[%dma_start3A_517, %dma_start3A_518] : memref<100000x128xf32, #tpu.memory_space<hbm>> -> memref<100000x128xf32, #tpu.memory_space<hbm>>
        tpu.enqueue_indirect_dma source(%dma_start3A_519 : memref<100000x128xf32, #tpu.memory_space<hbm>>) target(%arg9 : memref<128x128xf32, #tpu.memory_space<vmem>>) offsets(%dma_start3A_516 : memref<128xi32, #tpu.memory_space<vmem>>) semaphore(%arg15 : memref<!tpu.dma_semaphore, #tpu.memory_space<semaphore_mem>>)
      } else {
      }
      %add3A_494 = arith.constant 3 : i32
      %add3A_495 = arith.addi %mul3A_319, %add3A_494 : i32
      %add3A_496 = arith.constant 4 : i32
      %add3A_497 = arith.addi %add3A_495, %add3A_496 : i32
      %lt3A_498 = arith.constant 200 : i32
      %lt3A_499 = arith.cmpi slt, %add3A_497, %lt3A_498 : i32
      %convert_element_type3A_500 = arith.extui %lt3A_499 : i1 to i32
      %cond3A_501 = arith.constant 0 : i32
      %cond3A_502 = arith.cmpi ne, %convert_element_type3A_500, %cond3A_501 : i32
      scf.if %cond3A_502 {
        %mul3A_510 = arith.constant 128 : i32
        %mul3A_511 = arith.muli %add3A_495, %mul3A_510 : i32
        %add3A_512 = arith.addi %mul3A_2, %mul3A_511 : i32
        %dma_wait3A_513 = arith.constant 0 : i32
        %dma_wait3A_514 = tpu.memref_slice %arg4[%add3A_512, %dma_wait3A_513] : memref<819200x128xf32, #tpu.memory_space<hbm>> -> memref<128x128xf32, #tpu.memory_space<hbm>>
        %dma_wait3A_515 = arith.constant 0 : i32
        %dma_wait3A_516 = tpu.memref_slice %arg4[%add3A_512, %dma_wait3A_515] : memref<819200x128xf32, #tpu.memory_space<hbm>> -> memref<128x128xf32, #tpu.memory_space<hbm>>
        tpu.wait_dma2 semaphore(%arg23 : memref<!tpu.dma_semaphore, #tpu.memory_space<semaphore_mem>>) src(%arg10 : memref<128x128xf32, #tpu.memory_space<vmem>>) dst(%dma_wait3A_516 : memref<128x128xf32, #tpu.memory_space<hbm>>)
        %add3A_517 = arith.constant 4 : i32
        %add3A_518 = arith.addi %add3A_495, %add3A_517 : i32
        %dma_start3A_519 = arith.constant 0 : i32
        %dma_start3A_520 = arith.constant 3 : i32
        %dma_start3A_521 = arith.constant 0 : i32
        %dma_start3A_522 = tpu.memref_slice %arg5[%dma_start3A_519, %dma_start3A_520, %dma_start3A_521] : memref<2x4x128xi32, #tpu.memory_space<vmem>> -> memref<1x1x128xi32, #tpu.memory_space<vmem>>
        %dma_start3A_523 = tpu.memref_squeeze %dma_start3A_522 : memref<1x1x128xi32, #tpu.memory_space<vmem>> -> memref<128xi32, #tpu.memory_space<vmem>>
        %dma_start3A_524 = arith.constant 0 : i32
        %dma_start3A_525 = arith.constant 0 : i32
        %dma_start3A_526 = tpu.memref_slice %arg2[%dma_start3A_524, %dma_start3A_525] : memref<100000x128xf32, #tpu.memory_space<hbm>> -> memref<100000x128xf32, #tpu.memory_space<hbm>>
        tpu.enqueue_indirect_dma source(%dma_start3A_526 : memref<100000x128xf32, #tpu.memory_space<hbm>>) target(%arg10 : memref<128x128xf32, #tpu.memory_space<vmem>>) offsets(%dma_start3A_523 : memref<128xi32, #tpu.memory_space<vmem>>) semaphore(%arg16 : memref<!tpu.dma_semaphore, #tpu.memory_space<semaphore_mem>>)
      } else {
      }
      %add3A_503 = arith.constant 2 : i32
      %add3A_504 = arith.addi %add3A_317, %add3A_503 : i32
      %lt3A_505 = arith.constant 50 : i32
      %lt3A_506 = arith.cmpi slt, %add3A_504, %lt3A_505 : i32
      %convert_element_type3A_507 = arith.extui %lt3A_506 : i1 to i32
      %cond3A_508 = arith.constant 0 : i32
      %cond3A_509 = arith.cmpi ne, %convert_element_type3A_507, %cond3A_508 : i32
      scf.if %cond3A_509 {
        %add3A_510 = arith.constant 2 : i32
        %add3A_511 = arith.addi %add3A_317, %add3A_510 : i32
        %mul3A_512 = arith.constant 4 : i32
        %mul3A_513 = arith.muli %add3A_511, %mul3A_512 : i32
        %dma_start3A_514 = arith.constant 1 : i32
        %dma_start3A_515 = arith.constant 0 : i32
        %dma_start3A_516 = arith.constant 0 : i32
        %dma_start3A_517 = tpu.memref_slice %arg5[%dma_start3A_514, %dma_start3A_515, %dma_start3A_516] : memref<2x4x128xi32, #tpu.memory_space<vmem>> -> memref<1x4x128xi32, #tpu.memory_space<vmem>>
        %dma_start3A_518 = tpu.memref_squeeze %dma_start3A_517 : memref<1x4x128xi32, #tpu.memory_space<vmem>> -> memref<4x128xi32, #tpu.memory_space<vmem>>
        %dma_start3A_519 = arith.constant 0 : i32
        %dma_start3A_520 = tpu.memref_slice %arg3[%add3A, %mul3A_513, %dma_start3A_519] : memref<32x200x128xi32, #tpu.memory_space<hbm>> -> memref<1x4x128xi32, #tpu.memory_space<hbm>>
        %dma_start3A_521 = tpu.memref_squeeze %dma_start3A_520 : memref<1x4x128xi32, #tpu.memory_space<hbm>> -> memref<4x128xi32, #tpu.memory_space<hbm>>
        %dma_start3A_522 = arith.constant 0 : i32
        %dma_start3A_523 = arith.constant 0 : i32
        %dma_start3A_524 = tpu.memref_slice %arg5[%dma_start3A_514, %dma_start3A_522, %dma_start3A_523] : memref<2x4x128xi32, #tpu.memory_space<vmem>> -> memref<1x4x128xi32, #tpu.memory_space<vmem>>
        %dma_start3A_525 = tpu.memref_squeeze %dma_start3A_524 : memref<1x4x128xi32, #tpu.memory_space<vmem>> -> memref<4x128xi32, #tpu.memory_space<vmem>>
        %dma_start3A_526 = arith.constant 0 : i32
        %dma_start3A_527 = tpu.memref_slice %arg3[%add3A, %mul3A_513, %dma_start3A_526] : memref<32x200x128xi32, #tpu.memory_space<hbm>> -> memref<1x4x128xi32, #tpu.memory_space<hbm>>
        %dma_start3A_528 = tpu.memref_squeeze %dma_start3A_527 : memref<1x4x128xi32, #tpu.memory_space<hbm>> -> memref<4x128xi32, #tpu.memory_space<hbm>>
        tpu.enqueue_dma source(%dma_start3A_528 : memref<4x128xi32, #tpu.memory_space<hbm>>) target(%dma_start3A_525 : memref<4x128xi32, #tpu.memory_space<vmem>>) target_semaphore(%arg12 : memref<!tpu.dma_semaphore, #tpu.memory_space<semaphore_mem>>)
      } else {
      }
    }
    %scan3A_87 = arith.constant 25 : i32
    %add3A_88 = arith.constant 25088 : i32
    %add3A_89 = arith.addi %mul3A_2, %add3A_88 : i32
    %dma_wait3A_90 = arith.constant 0 : i32
    %dma_wait3A_91 = arith.constant 0 : i32
    %dma_wait3A_92 = tpu.memref_slice %arg4[%add3A_89, %dma_wait3A_91] : memref<819200x128xf32, #tpu.memory_space<hbm>> -> memref<128x128xf32, #tpu.memory_space<hbm>>
    %dma_wait3A_93 = arith.constant 0 : i32
    %dma_wait3A_94 = arith.constant 0 : i32
    %dma_wait3A_95 = tpu.memref_slice %arg6[%arg1, %dma_wait3A_90, %dma_wait3A_93, %dma_wait3A_94] : memref<16x3x128x128xf32, #tpu.memory_space<vmem_shared>> -> memref<1x1x128x128xf32, #tpu.memory_space<vmem_shared>>
    %dma_wait3A_96 = tpu.memref_squeeze %dma_wait3A_95 : memref<1x1x128x128xf32, #tpu.memory_space<vmem_shared>> -> memref<128x128xf32, #tpu.memory_space<vmem_shared>>
    tpu.wait_dma2 semaphore(%arg20 : memref<!tpu.dma_semaphore, #tpu.memory_space<semaphore_mem>>) src(%dma_wait3A_96 : memref<128x128xf32, #tpu.memory_space<vmem_shared>>) dst(%dma_wait3A_92 : memref<128x128xf32, #tpu.memory_space<hbm>>)
    %add3A_97 = arith.constant 25216 : i32
    %add3A_98 = arith.addi %mul3A_2, %add3A_97 : i32
    %dma_wait3A_99 = arith.constant 1 : i32
    %dma_wait3A_100 = arith.constant 0 : i32
    %dma_wait3A_101 = tpu.memref_slice %arg4[%add3A_98, %dma_wait3A_100] : memref<819200x128xf32, #tpu.memory_space<hbm>> -> memref<128x128xf32, #tpu.memory_space<hbm>>
    %dma_wait3A_102 = arith.constant 0 : i32
    %dma_wait3A_103 = arith.constant 0 : i32
    %dma_wait3A_104 = tpu.memref_slice %arg6[%arg1, %dma_wait3A_99, %dma_wait3A_102, %dma_wait3A_103] : memref<16x3x128x128xf32, #tpu.memory_space<vmem_shared>> -> memref<1x1x128x128xf32, #tpu.memory_space<vmem_shared>>
    %dma_wait3A_105 = tpu.memref_squeeze %dma_wait3A_104 : memref<1x1x128x128xf32, #tpu.memory_space<vmem_shared>> -> memref<128x128xf32, #tpu.memory_space<vmem_shared>>
    tpu.wait_dma2 semaphore(%arg21 : memref<!tpu.dma_semaphore, #tpu.memory_space<semaphore_mem>>) src(%dma_wait3A_105 : memref<128x128xf32, #tpu.memory_space<vmem_shared>>) dst(%dma_wait3A_101 : memref<128x128xf32, #tpu.memory_space<hbm>>)
    %add3A_106 = arith.constant 25344 : i32
    %add3A_107 = arith.addi %mul3A_2, %add3A_106 : i32
    %dma_wait3A_108 = arith.constant 2 : i32
    %dma_wait3A_109 = arith.constant 0 : i32
    %dma_wait3A_110 = tpu.memref_slice %arg4[%add3A_107, %dma_wait3A_109] : memref<819200x128xf32, #tpu.memory_space<hbm>> -> memref<128x128xf32, #tpu.memory_space<hbm>>
    %dma_wait3A_111 = arith.constant 0 : i32
    %dma_wait3A_112 = arith.constant 0 : i32
    %dma_wait3A_113 = tpu.memref_slice %arg6[%arg1, %dma_wait3A_108, %dma_wait3A_111, %dma_wait3A_112] : memref<16x3x128x128xf32, #tpu.memory_space<vmem_shared>> -> memref<1x1x128x128xf32, #tpu.memory_space<vmem_shared>>
    %dma_wait3A_114 = tpu.memref_squeeze %dma_wait3A_113 : memref<1x1x128x128xf32, #tpu.memory_space<vmem_shared>> -> memref<128x128xf32, #tpu.memory_space<vmem_shared>>
    tpu.wait_dma2 semaphore(%arg22 : memref<!tpu.dma_semaphore, #tpu.memory_space<semaphore_mem>>) src(%dma_wait3A_114 : memref<128x128xf32, #tpu.memory_space<vmem_shared>>) dst(%dma_wait3A_110 : memref<128x128xf32, #tpu.memory_space<hbm>>)
    %add3A_115 = arith.constant 25472 : i32
    %add3A_116 = arith.addi %mul3A_2, %add3A_115 : i32
    %dma_wait3A_117 = arith.constant 0 : i32
    %dma_wait3A_118 = tpu.memref_slice %arg4[%add3A_116, %dma_wait3A_117] : memref<819200x128xf32, #tpu.memory_space<hbm>> -> memref<128x128xf32, #tpu.memory_space<hbm>>
    %dma_wait3A_119 = arith.constant 0 : i32
    %dma_wait3A_120 = tpu.memref_slice %arg4[%add3A_116, %dma_wait3A_119] : memref<819200x128xf32, #tpu.memory_space<hbm>> -> memref<128x128xf32, #tpu.memory_space<hbm>>
    tpu.wait_dma2 semaphore(%arg23 : memref<!tpu.dma_semaphore, #tpu.memory_space<semaphore_mem>>) src(%arg10 : memref<128x128xf32, #tpu.memory_space<vmem>>) dst(%dma_wait3A_120 : memref<128x128xf32, #tpu.memory_space<hbm>>)
    return
  }
}

</mosaic_0001>

<sc_bundles>
// kernel: _sc_gather.3.cloned.1.call-start
scs
__scs_entry_jumppad:
0x0: {  	(pc) =	sbr.rel $0x88, $3  }
0x1: {  	(tag) =	ssettag $0x0;
	lr =	simm.s32 $0x1  }
0x2: {  	[smem:$0x3F9F] =	sst lr;
	_ =	strace $0xD0000000  }
0x3: {  	_ = 	snop  }
0x4: {  	_ = 	snop  }
0x5: {  	_ = 	snop  }
0x6: {  	_ = 	snop  }
0x7: {  	_ = 	snop  }
__scs_overlays_trampoline_lowered:
0x8: {  	[smem:$0x3FAE] =	sst s0  }
0x9: {  	[smem:$0x3FAF] =	sst s1  }
0xa: {  	[smem:$0x3FB0] =	sst s2  }
0xb: {  	[smem:$0x3FB1] =	sst s3  }
0xc: {  	[smem:$0x3FB2] =	sst s4  }
0xd: {  	[smem:$0x3FB3] =	sst s5  }
0xe: {  	[smem:$0x3FB4] =	sst s6  }
0xf: {  	[smem:$0x3FB5] =	sst s7  }
0x10: {  	[smem:$0x3FB6] =	sst s8  }
0x11: {  	[smem:$0x3FB7] =	sst s9;
	s0 =	simm.s32 @!p0 $0x0  }
0x12: {  	s1 =	sld [smem:$0x3F9D];
	s0 =	simm.s32 @p0 $0x1  }
0x13: {  	[smem:$0x3FB8] =	sst s0;
	s0 =	simm.s32 @!p1 $0x0  }
0x14: {  	s2 =	sld [smem:$0x3F9C];
	s0 =	simm.s32 @p1 $0x1  }
0x15: {  	[smem:$0x3FB9] =	sst s0;
	s0 =	simm.s32 @!p2 $0x0  }
0x16: {  	s3 =	sld [smem:$0x3FDB];
	s0 =	simm.s32 @p2 $0x1  }
0x17: {  	s4 =	simm.s32 $0x1BF5;
	[smem:$0x3FBB] =	sst s0  }
0x18: {  	s0 =	sld [smem:$0x3F9E];
	_ =	swait.ge [sflag:s4], $0x0  }
0x19: {  	s7 =	sld [smem:$0x3F9F]  }
0x1a: {  	s8 =	sadd.s32 $0xFFFFE003, lr  }
0x1b: {  	s9 =	sadd.s32 $0xFFFFFEF7, lr;
	s5 =	simm.s32 $0xFFFFFFFF;
	p2 =	slt.u32 s8, $0xFFFFF086  }
0x1c: {  	p1 =	slt.u32 s9, $0xF7A;
	s5 =	simm.s32 @!p2 $0x0  }
0x1d: {  	s5 =	simm.s32 @p1 $0x1;
	p0 =	seq.s32 s7, s2  }
0x1e: {  	s7 =	smul.u32 @!p0 $0xF7A, s2;
	p2 =	seq.s32 @!p0 s5, $0x0  }
0x1f: {  	s9 =	smul.u32 $0xF7A, s1;
	s8 =	simm.s32 @!p0 $0x1BF5;
	p2 =	por !p2, p0  }
0x20: {  	[sflag:s8] =	ssyncset.s32 @!p0 $0xFFFFF086;
	s6 =	sadd.s32 @!p0 s3, s7;
	s7 =	simm.s32 @!p0 $0x108  }
0x21: {  	s3 =	sadd.s32 s3, s9;
	s6 =	sadd.s32 @!p0 $0x88, s6;
	s7 =	simm.s32 @p2 $0x1082  }
0x22: {  	[simem:s7], [sflag:s8] =	dma.local @!p0 [hbm:s6], $0xF7A  }
0x23: {  	s9 =	sor.u32 $0xD0000000, s2;
	s6 =	simm.s32 $0x108;
	_ =	swait.ge @!p0 [sflag:s8], $0x0  }
0x24: {  	s3 =	sadd.s32 $0x88, s3;
	s6 =	simm.s32 @!p1 $0x1082;
	[sflag:s4] =	ssyncset.s32 $0xFFFFF086  }
0x25: {  	[simem:s6], [sflag:s4] =	dma.local [hbm:s3], $0xF7A  }
0x26: {  	[smem:$0x3F9F] =	sst s1;
	(tag) =	ssettag s2;
	_ =	strace s9  }
0x27: {  	s1 =	sld [smem:$0x3FAF]  }
0x28: {  	s2 =	sld [smem:$0x3FB0]  }
0x29: {  	s4 =	sld [smem:$0x3FB2]  }
0x2a: {  	p0 =	seq.s32 s5, $0x0;
	s5 =	sld [smem:$0x3FB3]  }
0x2b: {  	s6 =	sld [smem:$0x3FB4]  }
0x2c: {  	s7 =	sld [smem:$0x3FB5]  }
0x2d: {  	s3 =	simm.s32 $0x108;
	s8 =	sld [smem:$0x3FB6]  }
0x2e: {  	s3 =	simm.s32 @!p0 $0x1082;
	s9 =	sld [smem:$0x3FB7]  }
0x2f: {  	lr =	sadd.s32 s0, s3;
	s0 =	sld [smem:$0x3FAE]  }
0x30: {  	s3 =	sld [smem:$0x3FB1]  }
0x31: {  	[smem:$0x3FBA] =	sst s10  }
0x32: {  	s10 =	sld [smem:$0x3FB8];
	_ =	sdelay $0x3  }
0x33: {  	p0 =	seq.s32 s10, $0x1;
	s10 =	sld [smem:$0x3FBA];
	_ =	sdelay $0x3  }
0x34: {  	[smem:$0x3FBA] =	sst s10  }
0x35: {  	s10 =	sld [smem:$0x3FB9];
	_ =	sdelay $0x3  }
0x36: {  	p1 =	seq.s32 s10, $0x1;
	s10 =	sld [smem:$0x3FBA];
	_ =	sdelay $0x3  }
0x37: {  	[smem:$0x3FBA] =	sst s10  }
0x38: {  	s10 =	sld [smem:$0x3FBB]  }
0x39: {  	_ = 	snop;
	(pc) =	sbr.ind lr, $3  }
0x3a: {  	_ = 	snop  }
0x3b: {  	_ = 	snop  }
0x3c: {  	p2 =	seq.s32 s10, $0x1;
	s10 =	sld [smem:$0x3FBA]  }
0x3d: {  	_ =	shalt  }
0x3e: {  	_ =	shalt  }
0x3f: {  	_ =	shalt  }
0x40: {  	_ =	shalt  }
0x41: {  	_ =	shalt  }
0x42: {  	_ =	shalt  }
0x43: {  	_ =	shalt  }
0x44: {  	_ =	shalt  }
0x45: {  	_ =	shalt  }
0x46: {  	_ =	shalt  }
0x47: {  	_ =	shalt  }
0x48: {  	_ =	shalt  }
0x49: {  	_ =	shalt  }
0x4a: {  	_ =	shalt  }
0x4b: {  	_ =	shalt  }
0x4c: {  	_ =	shalt  }
0x4d: {  	_ =	shalt  }
0x4e: {  	_ =	shalt  }
0x4f: {  	_ =	shalt  }
0x50: {  	_ =	shalt  }
0x51: {  	_ =	shalt  }
0x52: {  	_ =	shalt  }
0x53: {  	_ =	shalt  }
0x54: {  	_ =	shalt  }
0x55: {  	_ =	shalt  }
0x56: {  	_ =	shalt  }
0x57: {  	_ =	shalt  }
0x58: {  	_ =	shalt  }
0x59: {  	_ =	shalt  }
0x5a: {  	_ =	shalt  }
0x5b: {  	_ =	shalt  }
0x5c: {  	_ =	shalt  }
0x5d: {  	_ =	shalt  }
0x5e: {  	_ =	shalt  }
0x5f: {  	_ =	shalt  }
0x60: {  	_ =	shalt  }
0x61: {  	_ =	shalt  }
0x62: {  	_ =	shalt  }
0x63: {  	_ =	shalt  }
0x64: {  	_ =	shalt  }
0x65: {  	_ =	shalt  }
0x66: {  	_ =	shalt  }
0x67: {  	_ =	shalt  }
0x68: {  	_ =	shalt  }
0x69: {  	_ =	shalt  }
0x6a: {  	_ =	shalt  }
0x6b: {  	_ =	shalt  }
0x6c: {  	_ =	shalt  }
0x6d: {  	_ =	shalt  }
0x6e: {  	_ =	shalt  }
0x6f: {  	_ =	shalt  }
0x70: {  	_ =	shalt  }
0x71: {  	_ =	shalt  }
0x72: {  	_ =	shalt  }
0x73: {  	_ =	shalt  }
0x74: {  	_ =	shalt  }
0x75: {  	_ =	shalt  }
0x76: {  	_ =	shalt  }
0x77: {  	_ =	shalt  }
0x78: {  	_ =	shalt  }
0x79: {  	_ =	shalt  }
0x7a: {  	_ =	shalt  }
0x7b: {  	_ =	shalt  }
0x7c: {  	_ =	shalt  }
0x7d: {  	_ =	shalt  }
0x7e: {  	_ =	shalt  }
0x7f: {  	_ =	shalt  }
0x80: {  	_ =	shalt  }
0x81: {  	_ =	shalt  }
0x82: {  	_ =	shalt  }
0x83: {  	_ =	shalt  }
0x84: {  	_ =	shalt  }
0x85: {  	_ =	shalt  }
0x86: {  	_ =	shalt  }
0x87: {  	_ =	shalt  }
.Lfunc_end0:
.L_simem_size_0:
called_computation_lowered:
.L_overlay_start_0:
0x88: {  	s2 =	sld [smem:$0x3FD9]  }
0x89: {  	s3 =	sld [smem:$0x3FFE];
	_ =	sdelay $0x1  }
0x8a: {  	s1 =	srdreg.scid  }
0x8b: {  	s0 =	sand.u32 $0x1, s1  }
0x8c: {  	s18 =	sshll.u32 s0, $0xA;
	s2 =	sadd.s32 s3, s2  }
0x8d: {  	s2 =	sadd.s32 s2, s18  }
0x8e: {  	[smem:$0x3FC6] =	sst s2  }
0x8f: {  	_ = 	snop  }
0x90: {  	s2 =	sld [smem:$0x3FC9]  }
0x91: {  	s19 =	sld [smem:$0x3FC8]  }
0x92: {  	s4 =	sld [smem:$0x3FD0];
	(tm) =	ssettm $0x1  }
0x93: {  	s5 =	sld [smem:$0x3FFB];
	_ =	sdelay $0x3  }
0x94: {  	_ =	strace s5  }
0x95: {  	s5 =	sld [smem:$0x3FFC];
	_ =	sdelay $0x3  }
0x96: {  	_ =	strace s5  }
0x97: {  	s5 =	sld [smem:$0x3FFD];
	_ =	sdelay $0x3  }
0x98: {  	_ =	strace s5  }
0x99: {  	_ =	strace $0x8FFFFFFF  }
0x9a: {  	s20 =	sld [smem:$0x3FDB];
	_ =	sdelay $0x1  }
0x9b: {  	s6 =	simm.s32 $_scs_section_size  }
0x9c: {  	s7 =	simm.s32 $_size__tile_overlayer_lowered;
	s8 =	simm.s32 $_tile_overlayer_lowered  }
0x9d: {  	s23 =	simm.s32 $0x1BFF;
	s22 =	sshll.u32 s8, $0x1;
	s5 =	sadd.s32 s6, s20  }
0x9e: {  	s9 =	simm.s32 $0x0;
	s21 =	sshll.u32 s7, $0x1;
	s7 =	sadd.s32 s22, s5  }
0x9f: {  	[timem:s9], [sflag:s23] =	dma.local [hbm:s7], s21  }
0xa0: {  	_ =	swait.ge [sflag:s23], s21  }
0xa1: {  	s6 =	ssub.s32 $0x0, s21;
	[sflag:s23] =	ssyncset.done $0x0  }
0xa2: {  	[sflag:s23] =	ssyncadd.s32 s6;
	_ =	sdelay $0x1  }
0xa3: {  	s24 =	simm.s32 $0x1B8B  }
0xa4: {  	_ =	swait.ge [sflag:s24], $0x1  }
0xa5: {  	[sflag:s24] =	ssyncset.done $0x0  }
0xa6: {  	s25 =	simm.s32 $0x1B8E;
	[sflag:s24] =	ssyncadd.s32 $0xFFFFFFFF  }
0xa7: {  	s26 =	simm.s32 $execute0_lowered;
	[smem:$0x3FD2] =	sst s25  }
0xa8: {  	s6 =	sshll.u32 s26, $0x1;
	_ =	strace $0x80000046;
	[dreg:$0x1] =	wrdreg $0xFFFFFFFF  }
0xa9: {  	s28 =	simm.s32 $_size_execute0_lowered;
	s5 =	sadd.s32 s5, s6;
	[dreg:$0x0] =	wrdreg $0x0  }
0xaa: {  	s6 =	sshll.u32 s28, $0x1;
	[dreg:$0x2] =	wrdreg s5  }
0xab: {  	[dreg:$0x3] =	wrdreg s6  }
0xac: {  	[dreg:$0x4] =	wrdreg $0xC0  }
0xad: {  	_ =	task [dreg:s9], $0x5FFFF  }
0xae: {  	[dreg:$0x1] =	wrdreg $0xFFFFFFFF  }
0xaf: {  	[dreg:$0x0] =	wrdreg $0x60  }
0xb0: {  	[dreg:$0x2] =	wrdreg s2  }
0xb1: {  	[dreg:$0x3] =	wrdreg s19  }
0xb2: {  	[dreg:$0x4] =	wrdreg s4  }
0xb3: {  	[dreg:$0x5] =	wrdreg $0x4000  }
0xb4: {  	[dreg:$0x6] =	wrdreg $0x9  }
0xb5: {  	_ =	task.clear_ibuf [dreg:s9], $0x7FFFF;
	_ =	strace $0x90000046  }
0xb6: {  	s29 =	simm.s32 $0x9;
	_ =	strace $0x80000048  }
0xb7: {  	_ =	swait.ge [sflag:s29], $0x1  }
0xb8: {  	[sflag:s29] =	ssyncadd.s32 $0xFFFFFFFF  }
0xb9: {  	_ =	strace $0x90000048  }
0xba: {  	_ =	sfence  }
0xbb: {  	s30 =	sld [smem:$0x0];
	_ =	sdelay $0x2  }
0xbc: {  	s31 =	sshll.u32 s1, $0xD;
	s1 =	sshrl.u32 s1, $0x2  }
0xbd: {  	s3 =	sand.u32 $0x4000, s31;
	s1 =	sadd.s32 s1, s30  }
0xbe: {  	s0 =	sor.u32 s3, s0;
	s1 =	sshll.u32 s1, $0x11  }
0xbf: {  	s0 =	sor.u32 s1, s0  }
0xc0: {  	s0 =	sadd.s32 $0x8F2B, s0  }
0xc1: {  	[sflag:s0] =	ssyncadd.remote.s32 $0x1  }
0xc2: {  	_ =	sfence.sel $0xFFFF  }
0xc3: {  	[dreg:$0x0] =	wrdreg $0xFFFFFFFF;
	(pc) =	sbr.abs _section_cstart, $3  }
0xc4: {  	[dreg:$0x1] =	wrdreg $0xFFFFFFFF  }
0xc5: {  	_ =	task.clear_ibuf [dreg:s9], $0x2FFFF;
	_ =	strace $0x9FFFFFFF  }
0xc6: {  	(tm) =	ssettm $0x7FFFFFFF  }
0xc7: {  	_ =	shalt  }
tec
execute0_lowered:
.L_overlay_start_1:
0x0: {  	(tag) =	ssettag $0x1  }
0x1: {  	s1 =	rddreg [dreg:$0x0]  }
0x2: {  	s8 =	rddreg [dreg:$0x1]  }
0x3: {  	s0 =	rddreg [dreg:$0x2];
	s2 =	srdreg.scid  }
0x4: {  	s11 =	stileid.u32;
	s3 =	rddreg [dreg:$0x3];
	s21 =	simm.s32 $0x0  }
0x5: {  	s28 =	simm.s32 $0x6;
	s29 =	simm.s32 $0x3;
	s7 =	smul.u32 $0x30000, s11  }
0x6: {  	s30 =	simm.s32 $0x7;
	s31 =	simm.s32 $0x4;
	s16 =	smul.u32 $0x640000, s11  }
0x7: {  	s2 =	sand.u32 $0x1, s2;
	s4 =	sshll.u32 s11, $0x1;
	s19 =	smul.u32 $0xC800, s11  }
0x8: {  	[smem:$0x7FF] =	sst s21;
	s10 =	sadd.s32 $0x40, s8;
	s24 =	smul.u32 $0xC8000, s11  }
0x9: {  	s11 =	simm.s32 $0x14400;
	s4 =	sor.u32 s2, s4;
	s9 =	smul.u32 $0x320000, s2  }
0xa: {  	s5 =	ssub.s32 $0x2, s2;
	_ =	strace $0x80000047;
	s20 =	smul.u32 $0x6400, s2  }
0xb: {  	[dreg:$0x5] =	wrdreg s10;
	s4 =	smul.u32 $0x6400, s4;
	s6 =	sshrl.u32 s5, $0x1  }
0xc: {  	s2 =	smul.u32 $0x64000, s2;
	s17 =	sshrl.u32 s7, $0x2;
	s5 =	ssub.s32 s5, s6  }
0xd: {  	s18 =	sadd.s32 s9, s16;
	s16 =	simm.s32 $0x200;
	s4 =	sshrl.u32 s4, $0x3  }
0xe: {  	s6 =	sor.u32 $0x8000, s18;
	s5 =	smax.u32 s5, $0x1;
	s23 =	sshrl.u32 s18, $0x3  }
0xf: {  	s25 =	sor.u32 $0x18000, s18;
	s8 =	sadd.s32 s8, s4;
	[dreg:$0x8] =	wrdreg s5  }
0x10: {  	s4 =	sadd.s32 s4, s10;
	s22 =	sshrl.u32 s6, $0x3;
	[dreg:$0x6] =	wrdreg s8  }
0x11: {  	s6 =	simm.s32 $0x9;
	[dreg:$0x7] =	wrdreg s4;
	s8 =	sadd.s32 s17, s3  }
0x12: {  	s5 =	sadd.s32 s22, s0;
	s4 =	sadd.s32 s20, s19;
	s3 =	sor.u32 $0x10000, s18  }
0x13: {  	s19 =	simm.s32 $0x80;
	s18 =	simm.s32 $0x10400;
	s22 =	simm.s32 $0xC  }
0x14: {  	s9 =	sadd.s32 $0x4000, s8;
	[dreg:$0x9] =	wrdreg s5;
	s5 =	sadd.s32 s23, s0  }
0x15: {  	s10 =	sadd.s32 $0x8000, s8;
	s4 =	sadd.s32 $0x400, s4;
	[dreg:$0xa] =	wrdreg s5  }
0x16: {  	s3 =	sshrl.u32 s3, $0x3;
	s23 =	simm.s32 $0x200;
	[dreg:$0xb] =	wrdreg s4  }
.Ltmp0:
0x17: {  	s4 =	sadd.s32 s24, s0;
	s5 =	sshrl.u32 s25, $0x3;
	(pc) =	sbr.rel .LBB2_1-.Ltmp0, $4  }
0x18: {  	s24 =	simm.s32 $0x5;
	s25 =	simm.s32 $0xC400;
	s2 =	sadd.s32 s2, s4  }
0x19: {  	s26 =	sadd.s32 s5, s0;
	s0 =	sadd.s32 s3, s0;
	[dreg:$0xc] =	wrdreg s2  }
0x1a: {  	s3 =	simm.s32 $0x8;
	s5 =	simm.s32 $0x0;
	[dreg:$0xd] =	wrdreg s26  }
0x1b: {  	[dreg:$0xe] =	wrdreg s0;
	s26 =	simm.s32 $0xC400;
	s2 =	simm.s32 $0x18400  }
.LBB2_4:
0x1c: {  	s0 =	simm.s32 $0xA  }
0x1d: {  	_ =	swait.ge [sflag:s0], $0x800  }
0x1e: {  	[sflag:s0] =	ssyncset.done $0x0  }
0x1f: {  	s17 =	simm.s32 $0xB;
	[sflag:s0] =	ssyncadd.s32 $0xFFFFF800  }
0x20: {  	_ =	swait.ge [sflag:s17], $0x800  }
0x21: {  	[sflag:s17] =	ssyncset.done $0x0  }
0x22: {  	[sflag:s17] =	ssyncadd.s32 $0xFFFFF800  }
0x23: {  	_ =	swait.ge [sflag:s22], $0x800  }
0x24: {  	[sflag:s22] =	ssyncset.done $0x0  }
0x25: {  	s20 =	simm.s32 $0xD;
	[sflag:s22] =	ssyncadd.s32 $0xFFFFF800  }
0x26: {  	_ =	swait.ge [sflag:s20], $0x4000  }
0x27: {  	s5 =	rddreg [dreg:$0xf]  }
0x28: {  	s4 =	rddreg [dreg:$0x8];
	s5 =	sadd.s32 $0x1, s5  }
0x29: {  	p0 =	sne.s32 s5, s4  }
.Ltmp1:
0x2a: {  	_ = 	snop;
	(pc) =	sbr.rel @!p0 .LBB2_5-.Ltmp1, $3  }
0x2b: {  	_ =	sdelay $0x1  }
0x2c: {  	[sflag:s20] =	ssyncset.done $0x0  }
0x2d: {  	s16 =	simm.s32 $0x200;
	[sflag:s20] =	ssyncadd.s32 $0xFFFFC000  }
.LBB2_1:
0x2e: {  	[dreg:$0xf] =	wrdreg s5  }
0x2f: {  	s4 =	rddreg [dreg:$0x6]  }
0x30: {  	[tilespmem:s21], [sflag:$0x1] =	stream.linear.gather [hbm4b:s4+s21], $0x200, $0x38;
	[tilespmem:$0x1C400] =	vst v63  }
0x31: {  	s20 =	rddreg [dreg:$0x7];
	s7 =	simm.s32 $0x1  }
0x32: {  	[tilespmem:s16], [sflag:$0x2] =	stream.linear.gather [hbm4b:s20+s21], $0x200, $0x38;
	[tilespmem:$0x1C400] =	vst v63  }
0x33: {  	_ =	swait.ge [sflag:s7], $0x200  }
0x34: {  	[sflag:s7] =	ssyncset.done $0x0  }
0x35: {  	[sflag:s7] =	ssyncadd.s32 $0xFFFFFE00  }
0x36: {  	[tilespmem:s26], [sflag:$0x3] =	stream.indirect.gather [hbm4b:s1+s19], $0x80, s21, s19, $0xb8;
	[tilespmem:$0x1C400] =	vst v63  }
0x37: {  	_ = 	snop  }
0x38: {  	[tilespmem:s18], [sflag:$0x4] =	stream.indirect.gather [hbm4b:s1+s19], $0x80, s19, s19, $0xb8;
	[tilespmem:$0x1C400] =	vst v63  }
0x39: {  	s26 =	simm.s32 $0x100  }
0x3a: {  	[tilespmem:s11], [sflag:$0x5] =	stream.indirect.gather [hbm4b:s1+s19], $0x80, s26, s19, $0xb8;
	[tilespmem:$0x1C400] =	vst v63  }
0x3b: {  	s0 =	simm.s32 $0x180;
	s5 =	simm.s32 $0x0;
	s14 =	rddreg [dreg:$0xb]  }
0x3c: {  	[tilespmem:s2], [sflag:$0x6] =	stream.indirect.gather [hbm4b:s1+s19], $0x80, s0, s19, $0xb8;
	[tilespmem:$0x1C400] =	vst v63  }
.LBB2_2:
0x3d: {  	s0 =	simm.s32 $0x2  }
0x3e: {  	_ =	swait.ge [sflag:s0], $0x200  }
0x3f: {  	[sflag:s0] =	ssyncset.done $0x0  }
0x40: {  	[sflag:s0] =	ssyncadd.s32 $0xFFFFFE00  }
0x41: {  	_ =	swait.ge [sflag:s28], $0x4000  }
0x42: {  	s4 =	rddreg [dreg:$0xc]  }
0x43: {  	s26 =	simm.s32 $0x18400;
	[sflag:s28] =	ssyncset.done $0x0;
	s12 =	sadd.s32 s5, s4  }
0x44: {  	p0 =	seq.s32 s5, $0x0;
	[sflag:s28] =	ssyncadd.s32 $0xFFFFC000;
	s4 =	sadd.s32 $0x1800, s12  }
0x45: {  	[hbm4b:s4+s21] =	stream.linear.scatter [tilespmem:s26], [sflag:$0xD], $0x4000, $0x38;
	[tilespmem:$0x1C400] =	vst v63  }
0x46: {  	s4 =	simm.s32 @!p0 $0xA  }
0x47: {  	_ =	swait.ge @!p0 [sflag:s4], $0x800  }
0x48: {  	[sflag:s4] =	ssyncset.done @!p0 $0x0  }
0x49: {  	[sflag:s4] =	ssyncadd.s32 @!p0 $0xFFFFF800  }
0x4a: {  	_ =	swait.ge [sflag:s29], $0x4000  }
0x4b: {  	[sflag:s29] =	ssyncset.done $0x0  }
0x4c: {  	[sflag:s29] =	ssyncadd.s32 $0xFFFFC000  }
0x4d: {  	[spmem:s8] =	stream.linear.scatter [tilespmem:s25], [sflag:$0x7], $0x4000, $0x38;
	[tilespmem:$0x1C400] =	vst v63  }
0x4e: {  	s20 =	stileid.u32;
	s18 =	sshrl.u32 s8, $0x3;
	_ =	swait.ge [sflag:s30], $0x4000  }
0x4f: {  	s4 =	sshll.u32 s20, $0x6;
	[sflag:s30] =	ssyncset.done $0x0;
	s13 =	rddreg [dreg:$0xa]  }
0x50: {  	s15 =	sor.u32 $0x1C0A, s4;
	[sflag:s30] =	ssyncadd.s32 $0xFFFFC000;
	s13 =	sadd.s32 s5, s13  }
0x51: {  	[hbm:s13], [sflag:s15] =	dma.local [spmem:s18], $0x800  }
0x52: {  	s13 =	simm.s32 @!p0 $0xB  }
0x53: {  	[tilespmem:s25], [sflag:$0x3] =	stream.indirect.gather [hbm4b:s1+s19], $0x80, s16, s19, $0xb8;
	[tilespmem:$0x1C400] =	vst v63  }
0x54: {  	_ =	swait.ge @!p0 [sflag:s13], $0x800  }
0x55: {  	[sflag:s13] =	ssyncset.done @!p0 $0x0  }
0x56: {  	[sflag:s13] =	ssyncadd.s32 @!p0 $0xFFFFF800  }
0x57: {  	_ =	swait.ge [sflag:s31], $0x4000  }
0x58: {  	[sflag:s31] =	ssyncset.done $0x0  }
0x59: {  	s11 =	simm.s32 $0x10400;
	[sflag:s31] =	ssyncadd.s32 $0xFFFFC000  }
0x5a: {  	[spmem:s9] =	stream.linear.scatter [tilespmem:s11], [sflag:$0x8], $0x4000, $0x38;
	[tilespmem:$0x1C400] =	vst v63  }
0x5b: {  	_ =	swait.ge [sflag:s3], $0x4000  }
0x5c: {  	s17 =	sadd.s32 $0x800, s12;
	[sflag:s3] =	ssyncset.done $0x0  }
0x5d: {  	s16 =	sshrl.u32 s9, $0x3;
	s13 =	sor.u32 $0x1C0B, s4;
	[sflag:s3] =	ssyncadd.s32 $0xFFFFC000  }
0x5e: {  	[hbm:s17], [sflag:s13] =	dma.local [spmem:s16], $0x800  }
0x5f: {  	s21 =	simm.s32 $0x280;
	s17 =	simm.s32 @!p0 $0xC  }
0x60: {  	[tilespmem:s11], [sflag:$0x4] =	stream.indirect.gather [hbm4b:s1+s19], $0x80, s21, s19, $0xb8;
	[tilespmem:$0x1C400] =	vst v63  }
0x61: {  	_ =	swait.ge @!p0 [sflag:s17], $0x800  }
0x62: {  	[sflag:s17] =	ssyncset.done @!p0 $0x0  }
0x63: {  	[sflag:s17] =	ssyncadd.s32 @!p0 $0xFFFFF800  }
0x64: {  	_ =	swait.ge [sflag:s24], $0x4000  }
0x65: {  	[sflag:s24] =	ssyncset.done $0x0  }
0x66: {  	s0 =	simm.s32 $0x14400;
	[sflag:s24] =	ssyncadd.s32 $0xFFFFC000  }
0x67: {  	[spmem:s10] =	stream.linear.scatter [tilespmem:s0], [sflag:$0x9], $0x4000, $0x38;
	[tilespmem:$0x1C400] =	vst v63  }
0x68: {  	_ =	swait.ge [sflag:s6], $0x4000  }
0x69: {  	s17 =	sor.u32 $0x1C0C, s4;
	[sflag:s6] =	ssyncset.done $0x0;
	s2 =	rddreg [dreg:$0x9]  }
0x6a: {  	s4 =	sshrl.u32 s10, $0x3;
	[sflag:s6] =	ssyncadd.s32 $0xFFFFC000;
	s20 =	sadd.s32 s5, s2  }
0x6b: {  	[hbm:s20], [sflag:s17] =	dma.local [spmem:s4], $0x800  }
0x6c: {  	s2 =	simm.s32 $0x300;
	s20 =	simm.s32 $0xD  }
0x6d: {  	[tilespmem:s0], [sflag:$0x5] =	stream.indirect.gather [hbm4b:s1+s19], $0x80, s2, s19, $0xb8;
	[tilespmem:$0x1C400] =	vst v63  }
0x6e: {  	_ =	swait.ge [sflag:s20], $0x4000  }
0x6f: {  	[sflag:s20] =	ssyncset.done $0x0  }
0x70: {  	s21 =	simm.s32 $0x380;
	p0 =	seq.s32 s5, $0x60000;
	[sflag:s20] =	ssyncadd.s32 $0xFFFFC000  }
0x71: {  	[tilespmem:s26], [sflag:$0x6] =	stream.indirect.gather [hbm4b:s1+s19], $0x80, s21, s19, $0xb8;
	[tilespmem:$0x1C400] =	vst v63  }
0x72: {  	s20 =	sshrl.u32 @!p0 s14, $0x3;
	s21 =	rddreg [dreg:$0x1]  }
0x73: {  	s20 =	sadd.s32 @!p0 s21, s20;
	s21 =	simm.s32 @!p0 $0x0  }
0x74: {  	[tilespmem:s21], [sflag:$0x1] =	stream.linear.gather @!p0 [hbm4b:s20+s21], $0x200, $0x38;
	[tilespmem:$0x1C400] =	vst v63  }
0x75: {  	s20 =	simm.s32 @!p0 $0x1  }
0x76: {  	_ =	swait.ge @!p0 [sflag:s20], $0x200  }
0x77: {  	[sflag:s20] =	ssyncset.done @!p0 $0x0  }
0x78: {  	[sflag:s20] =	ssyncadd.s32 @!p0 $0xFFFFFE00  }
0x79: {  	_ =	swait.ge [sflag:s28], $0x4000  }
0x7a: {  	[sflag:s28] =	ssyncset.done $0x0  }
0x7b: {  	s21 =	simm.s32 $0x0;
	s20 =	sadd.s32 $0x3800, s12;
	[sflag:s28] =	ssyncadd.s32 $0xFFFFC000  }
0x7c: {  	[hbm4b:s20+s21] =	stream.linear.scatter [tilespmem:s26], [sflag:$0xD], $0x4000, $0x38;
	[tilespmem:$0x1C400] =	vst v63  }
0x7d: {  	s26 =	simm.s32 $0xA  }
0x7e: {  	_ =	swait.ge [sflag:s26], $0x800  }
0x7f: {  	[sflag:s26] =	ssyncset.done $0x0  }
0x80: {  	[sflag:s26] =	ssyncadd.s32 $0xFFFFF800  }
0x81: {  	_ =	swait.ge [sflag:s29], $0x4000  }
0x82: {  	[sflag:s29] =	ssyncset.done $0x0  }
0x83: {  	[sflag:s29] =	ssyncadd.s32 $0xFFFFC000  }
0x84: {  	[spmem:s8] =	stream.linear.scatter [tilespmem:s25], [sflag:$0x7], $0x4000, $0x38;
	[tilespmem:$0x1C400] =	vst v63  }
0x85: {  	_ =	swait.ge [sflag:s30], $0x4000  }
0x86: {  	[sflag:s30] =	ssyncset.done $0x0;
	s20 =	rddreg [dreg:$0xe]  }
0x87: {  	p1 =	sgt.u32 s7, $0x30;
	[sflag:s30] =	ssyncadd.s32 $0xFFFFC000;
	s20 =	sadd.s32 s5, s20  }
0x88: {  	[hbm:s20], [sflag:s15] =	dma.local [spmem:s18], $0x800  }
0x89: {  	s15 =	simm.s32 @!p1 $0x80;
	s18 =	simm.s32 @!p1 $0x0;
	s20 =	simm.s32 @!p1 $0xC400  }
0x8a: {  	[tilespmem:s20], [sflag:$0x3] =	stream.indirect.gather @!p1 [hbm4b:s1+s15], $0x80, s18, s15, $0xb8;
	[tilespmem:$0x1C400] =	vst v63  }
0x8b: {  	s20 =	simm.s32 $0xB  }
0x8c: {  	_ =	swait.ge [sflag:s20], $0x800  }
0x8d: {  	[sflag:s20] =	ssyncset.done $0x0  }
0x8e: {  	[sflag:s20] =	ssyncadd.s32 $0xFFFFF800  }
0x8f: {  	_ =	swait.ge [sflag:s31], $0x4000  }
0x90: {  	[sflag:s31] =	ssyncset.done $0x0  }
0x91: {  	[sflag:s31] =	ssyncadd.s32 $0xFFFFC000  }
0x92: {  	[spmem:s9] =	stream.linear.scatter [tilespmem:s11], [sflag:$0x8], $0x4000, $0x38;
	[tilespmem:$0x1C400] =	vst v63  }
0x93: {  	_ =	swait.ge [sflag:s3], $0x4000  }
0x94: {  	[sflag:s3] =	ssyncset.done $0x0  }
0x95: {  	s12 =	sadd.s32 $0x2800, s12;
	[sflag:s3] =	ssyncadd.s32 $0xFFFFC000  }
0x96: {  	[hbm:s12], [sflag:s13] =	dma.local [spmem:s16], $0x800  }
0x97: {  	s12 =	simm.s32 @!p1 $0x10400  }
0x98: {  	[tilespmem:s12], [sflag:$0x4] =	stream.indirect.gather @!p1 [hbm4b:s1+s15], $0x80, s15, s15, $0xb8;
	[tilespmem:$0x1C400] =	vst v63  }
0x99: {  	_ =	swait.ge [sflag:s22], $0x800  }
0x9a: {  	[sflag:s22] =	ssyncset.done $0x0  }
0x9b: {  	[sflag:s22] =	ssyncadd.s32 $0xFFFFF800  }
0x9c: {  	_ =	swait.ge [sflag:s24], $0x4000  }
0x9d: {  	[sflag:s24] =	ssyncset.done $0x0  }
0x9e: {  	[sflag:s24] =	ssyncadd.s32 $0xFFFFC000  }
0x9f: {  	[spmem:s10] =	stream.linear.scatter [tilespmem:s0], [sflag:$0x9], $0x4000, $0x38;
	[tilespmem:$0x1C400] =	vst v63  }
0xa0: {  	_ =	swait.ge [sflag:s6], $0x4000  }
0xa1: {  	[sflag:s6] =	ssyncset.done $0x0;
	s20 =	rddreg [dreg:$0xd]  }
0xa2: {  	[sflag:s6] =	ssyncadd.s32 $0xFFFFC000;
	s12 =	sadd.s32 s5, s20  }
0xa3: {  	[hbm:s12], [sflag:s17] =	dma.local [spmem:s4], $0x800  }
0xa4: {  	s4 =	simm.s32 @!p1 $0x100;
	s12 =	simm.s32 @!p1 $0x14400  }
0xa5: {  	[tilespmem:s12], [sflag:$0x5] =	stream.indirect.gather @!p1 [hbm4b:s1+s15], $0x80, s4, s15, $0xb8;
	[tilespmem:$0x1C400] =	vst v63  }
.Ltmp2:
0xa6: {  	s4 =	simm.s32 @!p1 $0xD;
	(pc) =	sbr.rel @p0 .LBB2_4-.Ltmp2, $4  }
0xa7: {  	s2 =	simm.s32 $0x18400;
	s26 =	simm.s32 $0xC400;
	_ =	swait.ge @!p1 [sflag:s4], $0x4000  }
0xa8: {  	s18 =	simm.s32 $0x10400;
	s11 =	simm.s32 $0x14400;
	[sflag:s4] =	ssyncset.done @!p1 $0x0  }
0xa9: {  	s12 =	simm.s32 @!p1 $0x18400;
	[sflag:s4] =	ssyncadd.s32 @!p1 $0xFFFFC000;
	s4 =	simm.s32 @!p1 $0x180  }
0xaa: {  	[tilespmem:s12], [sflag:$0x6] =	stream.indirect.gather @!p1 [hbm4b:s1+s15], $0x80, s4, s15, $0xb8;
	[tilespmem:$0x1C400] =	vst v63  }
.Ltmp3:
0xab: {  	(pc) =	sbr.rel .LBB2_2-.Ltmp3, $4  }
0xac: {  	s4 =	sshrl.u32 s14, $0x3  }
0xad: {  	s12 =	rddreg [dreg:$0x5];
	s5 =	sadd.s32 $0x4000, s5;
	s14 =	sadd.s32 $0x400, s14  }
0xae: {  	s7 =	sadd.s32 $0x2, s7;
	s16 =	simm.s32 $0x200;
	s4 =	sadd.s32 s4, s12  }
0xaf: {  	[tilespmem:s23], [sflag:$0x2] =	stream.linear.gather [hbm4b:s4+s21], $0x200, $0x38;
	[tilespmem:$0x1C400] =	vst v63  }
.LBB2_5:
0xb0: {  	_ =	sfence.sel $0x180000  }
0xb1: {  	[bflag:$0x0] =	sbarrier.arrive $0xFFFF  }
0xb2: {  	_ =	strace $0x90000047  }
0xb3: {  	s0 =	stileid.u32;
	[bflag:$0x2] =	sbarrier.arrive $0xFFFF  }
0xb4: {  	p0 =	sne.s32 s0, $0x0;
	s0 =	rddreg [dreg:$0x4]  }
0xb5: {  	s0 =	sadd.s32 @!p0 $0x100000, s0  }
0xb6: {  	[sflag:s0] =	ssyncadd.tile.s32 @!p0 $0x1;
	_ =	shalt  }
.Lfunc_end2:
_tile_overlayer_lowered:
.L_overlay_start_2:
0xb7: {  	(tag) =	ssettag $0x2  }
0xb8: {  	s0 =	rddreg [dreg:$0x0];
	s2 =	stileid.u32  }
0xb9: {  	s1 =	rddreg [dreg:$0x1];
	p0 =	sne.s32 s2, $0x0  }
0xba: {  	s3 =	rddreg [dreg:$0x2];
	[bflag:$0x3] =	sbarrier.arrive $0xFFFF;
	s2 =	simm.s32 @!p0 $0x1C0E  }
0xbb: {  	[timem:s3], [sflag:s2] =	dma.local @!p0 [hbm:s0], s1  }
0xbc: {  	s0 =	simm.s32 @!p0 $0xE  }
0xbd: {  	_ =	swait.ge @!p0 [sflag:s0], s1  }
0xbe: {  	s1 =	ssub.s32 @!p0 $0x0, s1;
	[sflag:s0] =	ssyncset.done @!p0 $0x0  }
0xbf: {  	[sflag:s0] =	ssyncadd.s32 @!p0 s1  }
0xc0: {  	[bflag:$0x3] =	sbarrier.arrive $0xFFFF  }
0xc1: {  	_ =	shalt  }

</sc_bundles>
